<compile_context>
chip_gen: v7x
topology: tpu7x:2x2x1
jax: 0.10.2.dev20260603
libtpu: 0.0.44.dev20260713+nightly
codegen_flags: <defaults>
</compile_context>

<pallas_src>
import functools

import jax
import jax.numpy as jnp
from jax import lax
from jax.experimental import pallas as pl
from jax.experimental.pallas import tpu as pltpu
from jax.experimental.pallas import tpu_sc as plsc

_B, _N, _E = 8, 10000, 320000
_K = 2000
_EPT = _E // 4
_CHUNKS = _EPT // _K


def _prep_kernel(fp, fl, fti, ftv, v, th, lf, tl, a_out, c_out, s_out):
    step = pl.program_id(0)

    @pl.when(step == 0)
    def _():
        p = jnp.clip(fp[...], 1e-7, 1.0 - 1e-7)
        t = fl[...]
        bce = jnp.sum(t * jnp.log(p) + (1.0 - t) * jnp.log(1.0 - p))
        mask = t > 0.5
        cnt = jnp.sum(mask.astype(jnp.float32))
        ft = ftv[...][:, :1]
        sq = jnp.sum(jnp.where(mask, (fti[...] - ft) ** 2, 0.0))
        vv = v[...]
        lo = jnp.maximum(0.95 - vv, 0.0)
        hi = jnp.maximum(vv - 1.05, 0.0)
        stab = jnp.sum(lo * lo + hi * hi)
        a_out[...] = vv * jnp.cos(th[...])
        c_out[...] = vv * jnp.sin(th[...])
        s_out[0, 0] = bce
        s_out[0, 1] = cnt
        s_out[0, 2] = sq
        s_out[0, 3] = stab
        s_out[0, 4] = 0.0

    viol = jnp.maximum(lf[...] - tl[...], 0.0)
    s_out[0, 4] = s_out[0, 4] + jnp.sum(viol * viol)


def _final_kernel(pp, pinj, o):
    pc = pp[0] + pp[1] + pp[2] + pp[3]
    d = pc - pinj[...]
    o[0, 0] = jnp.sum(d * d)


def _pf_body(a_hbm, c_hbm, ei_hbm, g_hbm, b_hbm, out_hbm,
             a_tab, c_tab,
             src0, dst0, g0, b0,
             src1, dst1, g1, b1,
             acc_p, ld0, ld1):
    c_id = lax.axis_index("c")
    s_id = lax.axis_index("s")
    lb = s_id // 4
    q = s_id % 4
    b_glob = c_id * 4 + lb

    pltpu.async_copy(a_hbm.at[pl.ds(b_glob * _N, _N)], a_tab, ld0)
    pltpu.async_copy(c_hbm.at[pl.ds(b_glob * _N, _N)], c_tab, ld1)
    zero16 = jnp.zeros((16,), jnp.float32)

    @plsc.parallel_loop(0, _N // 16, 1, unroll=4)
    def zloop(i):
        acc_p[pl.ds(i * 16, 16)] = zero16

    pltpu.make_async_copy(a_hbm.at[pl.ds(0, _N)], a_tab, ld0).wait()
    pltpu.make_async_copy(c_hbm.at[pl.ds(0, _N)], c_tab, ld1).wait()

    bufs = ((src0, dst0, g0, b0, ld0),
            (src1, dst1, g1, b1, ld1))

    def issue_loads(t, bs):
        src_v, dst_v, g_v, b_v, ld = bs
        off = q * _EPT + t * _K
        pltpu.async_copy(ei_hbm.at[pl.ds(off, _K)], src_v, ld)
        pltpu.async_copy(ei_hbm.at[pl.ds(_E + off, _K)], dst_v, ld)
        pltpu.async_copy(g_hbm.at[pl.ds(b_glob * _E + off, _K)], g_v, ld)
        pltpu.async_copy(b_hbm.at[pl.ds(b_glob * _E + off, _K)], b_v, ld)

    def wait_loads(bs):
        src_v, dst_v, g_v, b_v, ld = bs
        pltpu.make_async_copy(ei_hbm.at[pl.ds(0, _K)], src_v, ld).wait()
        pltpu.make_async_copy(ei_hbm.at[pl.ds(0, _K)], dst_v, ld).wait()
        pltpu.make_async_copy(g_hbm.at[pl.ds(0, _K)], g_v, ld).wait()
        pltpu.make_async_copy(b_hbm.at[pl.ds(0, _K)], b_v, ld).wait()

    def compute(bs):
        src_v, dst_v, g_v, b_v, _ = bs

        @plsc.parallel_loop(0, _K // 16, 1, unroll=4)
        def grp(j):
            base = j * 16
            si = src_v[pl.ds(base, 16)]
            di = dst_v[pl.ds(base, 16)]
            ai = plsc.load_gather(a_tab, [si])
            aj = plsc.load_gather(a_tab, [di])
            ci = plsc.load_gather(c_tab, [si])
            cj = plsc.load_gather(c_tab, [di])
            g = g_v[pl.ds(base, 16)]
            bb = b_v[pl.ds(base, 16)]
            p = g * (ai * aj + ci * cj) + bb * (ci * aj - ai * cj)
            plsc.addupdate_scatter(acc_p, [si], p)
            plsc.addupdate_scatter(acc_p, [di], -p)

    half = _CHUNKS // 2
    issue_loads(0, bufs[0])
    issue_loads(1, bufs[1])

    def pipe_body(m, carry):
        for par in (0, 1):
            bs = bufs[par]
            wait_loads(bs)
            compute(bs)

            @pl.when(m < half - 1)
            def _():
                issue_loads(2 * (m + 1) + par, bs)
        return carry

    lax.fori_loop(0, half, pipe_body, 0)

    pltpu.sync_copy(acc_p, out_hbm.at[pl.ds((q * _B + b_glob) * _N, _N)])


def _powerflow(a, c, ei, g, b):
    mesh = plsc.VectorSubcoreMesh(core_axis_name="c", subcore_axis_name="s")
    kern = functools.partial(
        pl.kernel,
        mesh=mesh,
        out_type=jax.ShapeDtypeStruct((4 * _B * _N,), jnp.float32),
        compiler_params=pltpu.CompilerParams(needs_layout_passes=False),
        scratch_types=[
            pltpu.VMEM((_N,), jnp.float32),
            pltpu.VMEM((_N,), jnp.float32),
        ] + 2 * [
            pltpu.VMEM((_K,), jnp.int32),
            pltpu.VMEM((_K,), jnp.int32),
            pltpu.VMEM((_K,), jnp.float32),
            pltpu.VMEM((_K,), jnp.float32),
        ] + [
            pltpu.VMEM((_N,), jnp.float32),
            pltpu.SemaphoreType.DMA,
            pltpu.SemaphoreType.DMA,
        ],
    )(_pf_body)
    return kern(a.reshape(-1), c.reshape(-1), ei.reshape(-1),
                g.reshape(-1), b.reshape(-1)).reshape(4, _B, _N)


def kernel(failure_probability, failure_label, failure_timing, failure_time,
           voltages, angles, edge_index, conductance, susceptance,
           power_injection, line_flows, thermal_limits):
    v = voltages[..., 0]
    th = angles[..., 0]
    g = conductance[..., 0]
    bsus = susceptance[..., 0]
    pinj = power_injection[..., 0]
    lf = line_flows[..., 0]
    tl = thermal_limits[..., 0]
    ftv = jnp.broadcast_to(failure_time[:, None], (_B, 128))
    ei = edge_index.astype(jnp.int32)

    ec = _E // 10
    a, c, s = pl.pallas_call(
        _prep_kernel,
        grid=(10,),
        in_specs=[
            pl.BlockSpec((_B, _N), lambda i: (0, 0)),
            pl.BlockSpec((_B, _N), lambda i: (0, 0)),
            pl.BlockSpec((_B, _N), lambda i: (0, 0)),
            pl.BlockSpec((_B, 128), lambda i: (0, 0)),
            pl.BlockSpec((_B, _N), lambda i: (0, 0)),
            pl.BlockSpec((_B, _N), lambda i: (0, 0)),
            pl.BlockSpec((_B, ec), lambda i: (0, i)),
            pl.BlockSpec((_B, ec), lambda i: (0, i)),
        ],
        out_specs=[
            pl.BlockSpec((_B, _N), lambda i: (0, 0)),
            pl.BlockSpec((_B, _N), lambda i: (0, 0)),
            pl.BlockSpec((1, 8), lambda i: (0, 0), memory_space=pltpu.SMEM),
        ],
        out_shape=[
            jax.ShapeDtypeStruct((_B, _N), jnp.float32),
            jax.ShapeDtypeStruct((_B, _N), jnp.float32),
            jax.ShapeDtypeStruct((1, 8), jnp.float32),
        ],
    )(failure_probability, failure_label, failure_timing, ftv, v, th, lf, tl)

    pp = _powerflow(a, c, ei, g, bsus)

    pf_sum = pl.pallas_call(
        _final_kernel,
        out_specs=pl.BlockSpec(memory_space=pltpu.SMEM),
        out_shape=jax.ShapeDtypeStruct((1, 1), jnp.float32),
    )(pp, pinj)[0, 0]

    bce_sum = s[0, 0]
    cnt = s[0, 1]
    sq_sum = s[0, 2]
    stab_sum = s[0, 3]
    cap_sum = s[0, 4]

    nbn = jnp.float32(_B * _N)
    l_pred = -bce_sum / nbn
    l_timing = sq_sum / jnp.maximum(cnt, 1.0)
    l_pred = l_pred + jnp.where(cnt > 0, 0.5 * l_timing, 0.0)
    l_pf = pf_sum / nbn
    l_cap = cap_sum / jnp.float32(_B * _E)
    l_stab = stab_sum / nbn
    l_temporal = jnp.float32(0.0)
    l_total = (l_pred + 0.1 * l_pf + 0.05 * l_cap + 0.05 * l_stab
               + 0.02 * l_temporal)
    return (l_total, l_pred, l_pf, l_cap, l_stab, l_temporal)

# --- scband reference (transcript-rebuilt; emitter-appended) ---
"""Pipeline reference for scband-physics-informed-loss-13297218748848 (READ-ONLY COPY).

The authoritative reference and input builder live on the scoring server;
editing this copy changes nothing except your own understanding.
"""

import jax, jax.numpy as jnp
import numpy as np

B, N, E = 8, 10000, 320000


def setup_inputs(seed: int = 0) -> dict:
    key = jax.random.key(seed)
    ks = jax.random.split(key, 12)
    return {
        'failure_probability': jax.random.uniform(ks[0], (B, N), dtype=jnp.float32),
        'failure_label': jax.random.uniform(ks[1], (B, N), dtype=jnp.float32),
        'failure_timing': jax.random.normal(ks[2], (B, N), dtype=jnp.float32),
        'failure_time': jax.random.uniform(ks[3], (B,), dtype=jnp.float32),
        'voltages': jax.random.uniform(ks[4], (B, N, 1), dtype=jnp.float32),
        'angles': jax.random.normal(ks[5], (B, N, 1), dtype=jnp.float32),
        'edge_index': jax.random.randint(ks[6], (2, E), 0, N, dtype=jnp.int64) if jax.config.jax_enable_x64 else jax.random.randint(ks[6], (2, E), 0, N, dtype=jnp.int32),
        'conductance': jax.random.normal(ks[7], (B, E, 1), dtype=jnp.float32),
        'susceptance': jax.random.normal(ks[8], (B, E, 1), dtype=jnp.float32),
        'power_injection': jax.random.normal(ks[9], (B, N, 1), dtype=jnp.float32),
        'line_flows': jax.random.normal(ks[10], (B, E, 1), dtype=jnp.float32),
        'thermal_limits': jax.random.uniform(ks[11], (B, E, 1), dtype=jnp.float32),
    }


def _bce(p, t):
    eps = 1e-7
    p = jnp.clip(p, eps, 1.0 - eps)
    return -jnp.mean(t * jnp.log(p) + (1.0 - t) * jnp.log(1.0 - p))


def reference(failure_probability, failure_label, failure_timing, failure_time,
              voltages, angles, edge_index, conductance, susceptance,
              power_injection, line_flows, thermal_limits):
    # --- prediction loss (BCE + masked timing MSE) ---
    L_prediction = _bce(failure_probability, failure_label)
    failed_mask = failure_label > 0.5
    time_target = jnp.broadcast_to(failure_time[:, None], failure_timing.shape)
    cnt = jnp.sum(failed_mask.astype(jnp.float32))
    sq = jnp.where(failed_mask, (failure_timing - time_target) ** 2, 0.0)
    L_timing = jnp.sum(sq) / jnp.maximum(cnt, 1.0)
    L_prediction = L_prediction + jnp.where(cnt > 0, 0.5 * L_timing, 0.0)

    # --- power flow loss ---
    src = edge_index[0]
    dst = edge_index[1]
    V_i = voltages[:, src, :]
    V_j = voltages[:, dst, :]
    theta_ij = angles[:, src, :] - angles[:, dst, :]
    P_ij = V_i * V_j * (conductance * jnp.cos(theta_ij) + susceptance * jnp.sin(theta_ij))
    P = P_ij[..., 0]
    P_calc = jnp.zeros((voltages.shape[0], voltages.shape[1]), dtype=voltages.dtype)
    P_calc = P_calc.at[:, src].add(P)
    P_calc = P_calc.at[:, dst].add(-P)
    L_powerflow = jnp.mean((P_calc[..., None] - power_injection) ** 2)

    # --- capacity loss ---
    viol = jax.nn.relu(line_flows - thermal_limits)
    L_capacity = jnp.mean(viol ** 2)

    # --- voltage stability loss ---
    low = jax.nn.relu(0.95 - voltages)
    high = jax.nn.relu(voltages - 1.05)
    L_stability = jnp.mean(low ** 2 + high ** 2)

    L_temporal = jnp.float32(0.0)  # prev_predictions is None
    L_total = (L_prediction + 0.1 * L_powerflow + 0.05 * L_capacity
               + 0.05 * L_stability + 0.02 * L_temporal)
    return (L_total, L_prediction, L_powerflow, L_capacity, L_stability, L_temporal)

if __name__ == "__main__":
    import jax
    _d = setup_inputs()
    print(jax.jit(kernel)(*tuple(_d.values())))

</pallas_src>

<mosaic_0001>
#map = affine_map<(d0, d1) -> (0)>
module attributes {stable_mosaic.version = 14 : i64} {
  func.func @_pf_body(%arg0: i32, %arg1: i32, %arg2: memref<80000xf32, #tpu.memory_space<hbm>>, %arg3: memref<80000xf32, #tpu.memory_space<hbm>>, %arg4: memref<640000xi32, #tpu.memory_space<hbm>>, %arg5: memref<2560000xf32, #tpu.memory_space<hbm>>, %arg6: memref<2560000xf32, #tpu.memory_space<hbm>>, %arg7: memref<320000xf32, #tpu.memory_space<hbm>>, %arg8: memref<10000xf32, #tpu.memory_space<vmem>>, %arg9: memref<10000xf32, #tpu.memory_space<vmem>>, %arg10: memref<2000xi32, #tpu.memory_space<vmem>>, %arg11: memref<2000xi32, #tpu.memory_space<vmem>>, %arg12: memref<2000xf32, #tpu.memory_space<vmem>>, %arg13: memref<2000xf32, #tpu.memory_space<vmem>>, %arg14: memref<2000xi32, #tpu.memory_space<vmem>>, %arg15: memref<2000xi32, #tpu.memory_space<vmem>>, %arg16: memref<2000xf32, #tpu.memory_space<vmem>>, %arg17: memref<2000xf32, #tpu.memory_space<vmem>>, %arg18: memref<10000xf32, #tpu.memory_space<vmem>>, %arg19: memref<!tpu.dma_semaphore, #tpu.memory_space<semaphore_mem>>, %arg20: memref<!tpu.dma_semaphore, #tpu.memory_space<semaphore_mem>>) attributes {dimension_semantics = [#tpu.dimension_semantics<core_parallel>, #tpu.dimension_semantics<subcore_parallel>], iteration_bounds = array<i64: 2, 16>, scalar_prefetch = 0 : i64, scratch_operands = 13 : i64, tpu.core_type = #tpu.core_type<sc_vector_subcore>, window_params = [{transform_indices = #map}, {transform_indices = #map}, {transform_indices = #map}, {transform_indices = #map}, {transform_indices = #map}, {transform_indices = #map}]} {
    %jit3A = arith.constant 4 : i32
    %div3A = arith.divsi %arg1, %jit3A : i32
    %sign3A = arith.constant 0 : i32
    %sign3A_0 = arith.cmpi sgt, %arg1, %sign3A : i32
    %sign3A_1 = arith.extui %sign3A_0 : i1 to i32
    %sign3A_2 = arith.constant 0 : i32
    %sign3A_3 = arith.cmpi slt, %arg1, %sign3A_2 : i32
    %sign3A_4 = arith.extui %sign3A_3 : i1 to i32
    %sign3A_5 = arith.subi %sign3A_1, %sign3A_4 : i32
    %sign3A_6 = arith.constant 0 : i32
    %sign3A_7 = arith.cmpi sgt, %jit3A, %sign3A_6 : i32
    %sign3A_8 = arith.extui %sign3A_7 : i1 to i32
    %sign3A_9 = arith.constant 0 : i32
    %sign3A_10 = arith.cmpi slt, %jit3A, %sign3A_9 : i32
    %sign3A_11 = arith.extui %sign3A_10 : i1 to i32
    %sign3A_12 = arith.subi %sign3A_8, %sign3A_11 : i32
    %ne3A = arith.cmpi ne, %sign3A_5, %sign3A_12 : i32
    %rem3A = arith.remsi %arg1, %jit3A : i32
    %ne3A_13 = arith.constant 0 : i32
    %ne3A_14 = arith.cmpi ne, %rem3A, %ne3A_13 : i32
    %and3A = arith.andi %ne3A, %ne3A_14 : i1
    %sub3A = arith.constant 1 : i32
    %sub3A_15 = arith.subi %div3A, %sub3A : i32
    %select_n3A = arith.select %and3A, %sub3A_15, %div3A : i32
    %jit3A_16 = arith.constant 4 : i32
    %eq3A = arith.constant 0 : i32
    %eq3A_17 = arith.cmpi eq, %jit3A_16, %eq3A : i32
    %jit3A_18 = arith.constant 1 : i32
    %select_n3A_19 = arith.select %eq3A_17, %jit3A_18, %jit3A_16 : i32
    %rem3A_20 = arith.remsi %arg1, %select_n3A_19 : i32
    %ne3A_21 = arith.constant 0 : i32
    %ne3A_22 = arith.cmpi ne, %rem3A_20, %ne3A_21 : i32
    %lt3A = arith.constant 0 : i32
    %lt3A_23 = arith.cmpi slt, %rem3A_20, %lt3A : i32
    %lt3A_24 = arith.constant 0 : i32
    %lt3A_25 = arith.cmpi slt, %select_n3A_19, %lt3A_24 : i32
    %ne3A_26 = arith.xori %lt3A_23, %lt3A_25 : i1
    %and3A_27 = arith.andi %ne3A_26, %ne3A_22 : i1
    %add3A = arith.addi %rem3A_20, %select_n3A_19 : i32
    %select_n3A_28 = arith.select %and3A_27, %add3A, %rem3A_20 : i32
    %mul3A = arith.constant 4 : i32
    %mul3A_29 = arith.muli %arg0, %mul3A : i32
    %add3A_30 = arith.addi %mul3A_29, %select_n3A : i32
    %mul3A_31 = arith.constant 10000 : i32
    %mul3A_32 = arith.muli %add3A_30, %mul3A_31 : i32
    %dma_start3A = tpu.memref_slice %arg2[%mul3A_32] : memref<80000xf32, #tpu.memory_space<hbm>> -> memref<10000xf32, #tpu.memory_space<hbm>>
    %dma_start3A_33 = tpu.memref_slice %arg2[%mul3A_32] : memref<80000xf32, #tpu.memory_space<hbm>> -> memref<10000xf32, #tpu.memory_space<hbm>>
    tpu.enqueue_dma source(%dma_start3A_33 : memref<10000xf32, #tpu.memory_space<hbm>>) target(%arg8 : memref<10000xf32, #tpu.memory_space<vmem>>) target_semaphore(%arg19 : memref<!tpu.dma_semaphore, #tpu.memory_space<semaphore_mem>>)
    %mul3A_34 = arith.constant 10000 : i32
    %mul3A_35 = arith.muli %add3A_30, %mul3A_34 : i32
    %dma_start3A_36 = tpu.memref_slice %arg3[%mul3A_35] : memref<80000xf32, #tpu.memory_space<hbm>> -> memref<10000xf32, #tpu.memory_space<hbm>>
    %dma_start3A_37 = tpu.memref_slice %arg3[%mul3A_35] : memref<80000xf32, #tpu.memory_space<hbm>> -> memref<10000xf32, #tpu.memory_space<hbm>>
    tpu.enqueue_dma source(%dma_start3A_37 : memref<10000xf32, #tpu.memory_space<hbm>>) target(%arg9 : memref<10000xf32, #tpu.memory_space<vmem>>) target_semaphore(%arg20 : memref<!tpu.dma_semaphore, #tpu.memory_space<semaphore_mem>>)
    %broadcast_in_dim3A = arith.constant 0.000000e+00 : f32
    %broadcast_in_dim3A_38 = vector.broadcast %broadcast_in_dim3A : f32 to vector<16xf32>
    %parallel_loop3A = arith.constant 0 : i32
    %parallel_loop3A_39 = arith.constant 625 : i32
    %parallel_loop3A_40 = arith.constant 1 : i32
    scf.for %parallel_loop3A_98 = %parallel_loop3A to %parallel_loop3A_39 step %parallel_loop3A_40  : i32 {
      %parallel_loop3A_99 = arith.constant 16 : i32
      %parallel_loop3A_100 = arith.muli %parallel_loop3A_98, %parallel_loop3A_99 : i32
      %parallel_loop3A_101 = arith.index_cast %parallel_loop3A_100 : i32 to index
      %parallel_loop3A_102 = tpu.vector_load %arg18[%parallel_loop3A_101] {strides = array<i32>} : memref<10000xf32, #tpu.memory_space<vmem>>, vector<16xf32>,
      tpu.vector_store %arg18[%parallel_loop3A_101], %broadcast_in_dim3A_38 {strides = array<i32>} : memref<10000xf32, #tpu.memory_space<vmem>>, vector<16xf32>,
    } {sc.loop_unroll_factor = 4 : i64, sc.parallel_access}
    %dma_wait3A = arith.constant 0 : i32
    %dma_wait3A_41 = tpu.memref_slice %arg2[%dma_wait3A] : memref<80000xf32, #tpu.memory_space<hbm>> -> memref<10000xf32, #tpu.memory_space<hbm>>
    %dma_wait3A_42 = arith.constant 0 : i32
    %dma_wait3A_43 = tpu.memref_slice %arg2[%dma_wait3A_42] : memref<80000xf32, #tpu.memory_space<hbm>> -> memref<10000xf32, #tpu.memory_space<hbm>>
    tpu.wait_dma2 semaphore(%arg19 : memref<!tpu.dma_semaphore, #tpu.memory_space<semaphore_mem>>) src(%dma_wait3A_43 : memref<10000xf32, #tpu.memory_space<hbm>>) dst(%arg8 : memref<10000xf32, #tpu.memory_space<vmem>>)
    %dma_wait3A_44 = arith.constant 0 : i32
    %dma_wait3A_45 = tpu.memref_slice %arg3[%dma_wait3A_44] : memref<80000xf32, #tpu.memory_space<hbm>> -> memref<10000xf32, #tpu.memory_space<hbm>>
    %dma_wait3A_46 = arith.constant 0 : i32
    %dma_wait3A_47 = tpu.memref_slice %arg3[%dma_wait3A_46] : memref<80000xf32, #tpu.memory_space<hbm>> -> memref<10000xf32, #tpu.memory_space<hbm>>
    tpu.wait_dma2 semaphore(%arg20 : memref<!tpu.dma_semaphore, #tpu.memory_space<semaphore_mem>>) src(%dma_wait3A_47 : memref<10000xf32, #tpu.memory_space<hbm>>) dst(%arg9 : memref<10000xf32, #tpu.memory_space<vmem>>)
    %mul3A_48 = arith.constant 80000 : i32
    %mul3A_49 = arith.muli %select_n3A_28, %mul3A_48 : i32
    %add3A_50 = arith.constant 0 : i32
    %add3A_51 = arith.addi %mul3A_49, %add3A_50 : i32
    %dma_start3A_52 = tpu.memref_slice %arg4[%add3A_51] : memref<640000xi32, #tpu.memory_space<hbm>> -> memref<2000xi32, #tpu.memory_space<hbm>>
    %dma_start3A_53 = tpu.memref_slice %arg4[%add3A_51] : memref<640000xi32, #tpu.memory_space<hbm>> -> memref<2000xi32, #tpu.memory_space<hbm>>
    tpu.enqueue_dma source(%dma_start3A_53 : memref<2000xi32, #tpu.memory_space<hbm>>) target(%arg10 : memref<2000xi32, #tpu.memory_space<vmem>>) target_semaphore(%arg19 : memref<!tpu.dma_semaphore, #tpu.memory_space<semaphore_mem>>)
    %add3A_54 = arith.constant 320000 : i32
    %add3A_55 = arith.addi %add3A_54, %add3A_51 : i32
    %dma_start3A_56 = tpu.memref_slice %arg4[%add3A_55] : memref<640000xi32, #tpu.memory_space<hbm>> -> memref<2000xi32, #tpu.memory_space<hbm>>
    %dma_start3A_57 = tpu.memref_slice %arg4[%add3A_55] : memref<640000xi32, #tpu.memory_space<hbm>> -> memref<2000xi32, #tpu.memory_space<hbm>>
    tpu.enqueue_dma source(%dma_start3A_57 : memref<2000xi32, #tpu.memory_space<hbm>>) target(%arg11 : memref<2000xi32, #tpu.memory_space<vmem>>) target_semaphore(%arg19 : memref<!tpu.dma_semaphore, #tpu.memory_space<semaphore_mem>>)
    %mul3A_58 = arith.constant 320000 : i32
    %mul3A_59 = arith.muli %add3A_30, %mul3A_58 : i32
    %add3A_60 = arith.addi %mul3A_59, %add3A_51 : i32
    %dma_start3A_61 = tpu.memref_slice %arg5[%add3A_60] : memref<2560000xf32, #tpu.memory_space<hbm>> -> memref<2000xf32, #tpu.memory_space<hbm>>
    %dma_start3A_62 = tpu.memref_slice %arg5[%add3A_60] : memref<2560000xf32, #tpu.memory_space<hbm>> -> memref<2000xf32, #tpu.memory_space<hbm>>
    tpu.enqueue_dma source(%dma_start3A_62 : memref<2000xf32, #tpu.memory_space<hbm>>) target(%arg12 : memref<2000xf32, #tpu.memory_space<vmem>>) target_semaphore(%arg19 : memref<!tpu.dma_semaphore, #tpu.memory_space<semaphore_mem>>)
    %mul3A_63 = arith.constant 320000 : i32
    %mul3A_64 = arith.muli %add3A_30, %mul3A_63 : i32
    %add3A_65 = arith.addi %mul3A_64, %add3A_51 : i32
    %dma_start3A_66 = tpu.memref_slice %arg6[%add3A_65] : memref<2560000xf32, #tpu.memory_space<hbm>> -> memref<2000xf32, #tpu.memory_space<hbm>>
    %dma_start3A_67 = tpu.memref_slice %arg6[%add3A_65] : memref<2560000xf32, #tpu.memory_space<hbm>> -> memref<2000xf32, #tpu.memory_space<hbm>>
    tpu.enqueue_dma source(%dma_start3A_67 : memref<2000xf32, #tpu.memory_space<hbm>>) target(%arg13 : memref<2000xf32, #tpu.memory_space<vmem>>) target_semaphore(%arg19 : memref<!tpu.dma_semaphore, #tpu.memory_space<semaphore_mem>>)
    %mul3A_68 = arith.constant 80000 : i32
    %mul3A_69 = arith.muli %select_n3A_28, %mul3A_68 : i32
    %add3A_70 = arith.constant 2000 : i32
    %add3A_71 = arith.addi %mul3A_69, %add3A_70 : i32
    %dma_start3A_72 = tpu.memref_slice %arg4[%add3A_71] : memref<640000xi32, #tpu.memory_space<hbm>> -> memref<2000xi32, #tpu.memory_space<hbm>>
    %dma_start3A_73 = tpu.memref_slice %arg4[%add3A_71] : memref<640000xi32, #tpu.memory_space<hbm>> -> memref<2000xi32, #tpu.memory_space<hbm>>
    tpu.enqueue_dma source(%dma_start3A_73 : memref<2000xi32, #tpu.memory_space<hbm>>) target(%arg14 : memref<2000xi32, #tpu.memory_space<vmem>>) target_semaphore(%arg20 : memref<!tpu.dma_semaphore, #tpu.memory_space<semaphore_mem>>)
    %add3A_74 = arith.constant 320000 : i32
    %add3A_75 = arith.addi %add3A_74, %add3A_71 : i32
    %dma_start3A_76 = tpu.memref_slice %arg4[%add3A_75] : memref<640000xi32, #tpu.memory_space<hbm>> -> memref<2000xi32, #tpu.memory_space<hbm>>
    %dma_start3A_77 = tpu.memref_slice %arg4[%add3A_75] : memref<640000xi32, #tpu.memory_space<hbm>> -> memref<2000xi32, #tpu.memory_space<hbm>>
    tpu.enqueue_dma source(%dma_start3A_77 : memref<2000xi32, #tpu.memory_space<hbm>>) target(%arg15 : memref<2000xi32, #tpu.memory_space<vmem>>) target_semaphore(%arg20 : memref<!tpu.dma_semaphore, #tpu.memory_space<semaphore_mem>>)
    %mul3A_78 = arith.constant 320000 : i32
    %mul3A_79 = arith.muli %add3A_30, %mul3A_78 : i32
    %add3A_80 = arith.addi %mul3A_79, %add3A_71 : i32
    %dma_start3A_81 = tpu.memref_slice %arg5[%add3A_80] : memref<2560000xf32, #tpu.memory_space<hbm>> -> memref<2000xf32, #tpu.memory_space<hbm>>
    %dma_start3A_82 = tpu.memref_slice %arg5[%add3A_80] : memref<2560000xf32, #tpu.memory_space<hbm>> -> memref<2000xf32, #tpu.memory_space<hbm>>
    tpu.enqueue_dma source(%dma_start3A_82 : memref<2000xf32, #tpu.memory_space<hbm>>) target(%arg16 : memref<2000xf32, #tpu.memory_space<vmem>>) target_semaphore(%arg20 : memref<!tpu.dma_semaphore, #tpu.memory_space<semaphore_mem>>)
    %mul3A_83 = arith.constant 320000 : i32
    %mul3A_84 = arith.muli %add3A_30, %mul3A_83 : i32
    %add3A_85 = arith.addi %mul3A_84, %add3A_71 : i32
    %dma_start3A_86 = tpu.memref_slice %arg6[%add3A_85] : memref<2560000xf32, #tpu.memory_space<hbm>> -> memref<2000xf32, #tpu.memory_space<hbm>>
    %dma_start3A_87 = tpu.memref_slice %arg6[%add3A_85] : memref<2560000xf32, #tpu.memory_space<hbm>> -> memref<2000xf32, #tpu.memory_space<hbm>>
    tpu.enqueue_dma source(%dma_start3A_87 : memref<2000xf32, #tpu.memory_space<hbm>>) target(%arg17 : memref<2000xf32, #tpu.memory_space<vmem>>) target_semaphore(%arg20 : memref<!tpu.dma_semaphore, #tpu.memory_space<semaphore_mem>>)
    %scan3A = arith.constant 0 : i32
    %scan3A_88 = arith.constant 0 : i32
    %scan3A_89 = arith.constant 20 : i32
    %scan3A_90 = arith.addi %scan3A_88, %scan3A_89 : i32
    %scan3A_91 = arith.constant 1 : i32
    scf.for %scan3A_98 = %scan3A_88 to %scan3A_90 step %scan3A_91  : i32 {
      %dma_wait3A_99 = arith.constant 0 : i32
      %dma_wait3A_100 = tpu.memref_slice %arg4[%dma_wait3A_99] : memref<640000xi32, #tpu.memory_space<hbm>> -> memref<2000xi32, #tpu.memory_space<hbm>>
      %dma_wait3A_101 = arith.constant 0 : i32
      %dma_wait3A_102 = tpu.memref_slice %arg4[%dma_wait3A_101] : memref<640000xi32, #tpu.memory_space<hbm>> -> memref<2000xi32, #tpu.memory_space<hbm>>
      tpu.wait_dma2 semaphore(%arg19 : memref<!tpu.dma_semaphore, #tpu.memory_space<semaphore_mem>>) src(%dma_wait3A_102 : memref<2000xi32, #tpu.memory_space<hbm>>) dst(%arg10 : memref<2000xi32, #tpu.memory_space<vmem>>)
      %dma_wait3A_103 = arith.constant 0 : i32
      %dma_wait3A_104 = tpu.memref_slice %arg4[%dma_wait3A_103] : memref<640000xi32, #tpu.memory_space<hbm>> -> memref<2000xi32, #tpu.memory_space<hbm>>
      %dma_wait3A_105 = arith.constant 0 : i32
      %dma_wait3A_106 = tpu.memref_slice %arg4[%dma_wait3A_105] : memref<640000xi32, #tpu.memory_space<hbm>> -> memref<2000xi32, #tpu.memory_space<hbm>>
      tpu.wait_dma2 semaphore(%arg19 : memref<!tpu.dma_semaphore, #tpu.memory_space<semaphore_mem>>) src(%dma_wait3A_106 : memref<2000xi32, #tpu.memory_space<hbm>>) dst(%arg11 : memref<2000xi32, #tpu.memory_space<vmem>>)
      %dma_wait3A_107 = arith.constant 0 : i32
      %dma_wait3A_108 = tpu.memref_slice %arg5[%dma_wait3A_107] : memref<2560000xf32, #tpu.memory_space<hbm>> -> memref<2000xf32, #tpu.memory_space<hbm>>
      %dma_wait3A_109 = arith.constant 0 : i32
      %dma_wait3A_110 = tpu.memref_slice %arg5[%dma_wait3A_109] : memref<2560000xf32, #tpu.memory_space<hbm>> -> memref<2000xf32, #tpu.memory_space<hbm>>
      tpu.wait_dma2 semaphore(%arg19 : memref<!tpu.dma_semaphore, #tpu.memory_space<semaphore_mem>>) src(%dma_wait3A_110 : memref<2000xf32, #tpu.memory_space<hbm>>) dst(%arg12 : memref<2000xf32, #tpu.memory_space<vmem>>)
      %dma_wait3A_111 = arith.constant 0 : i32
      %dma_wait3A_112 = tpu.memref_slice %arg6[%dma_wait3A_111] : memref<2560000xf32, #tpu.memory_space<hbm>> -> memref<2000xf32, #tpu.memory_space<hbm>>
      %dma_wait3A_113 = arith.constant 0 : i32
      %dma_wait3A_114 = tpu.memref_slice %arg6[%dma_wait3A_113] : memref<2560000xf32, #tpu.memory_space<hbm>> -> memref<2000xf32, #tpu.memory_space<hbm>>
      tpu.wait_dma2 semaphore(%arg19 : memref<!tpu.dma_semaphore, #tpu.memory_space<semaphore_mem>>) src(%dma_wait3A_114 : memref<2000xf32, #tpu.memory_space<hbm>>) dst(%arg13 : memref<2000xf32, #tpu.memory_space<vmem>>)
      %parallel_loop3A_115 = arith.constant 0 : i32
      %parallel_loop3A_116 = arith.constant 125 : i32
      %parallel_loop3A_117 = arith.constant 1 : i32
      scf.for %parallel_loop3A_145 = %parallel_loop3A_115 to %parallel_loop3A_116 step %parallel_loop3A_117  : i32 {
        %parallel_loop3A_146 = arith.constant 16 : i32
        %parallel_loop3A_147 = arith.muli %parallel_loop3A_145, %parallel_loop3A_146 : i32
        %parallel_loop3A_148 = arith.index_cast %parallel_loop3A_147 : i32 to index
        %parallel_loop3A_149 = tpu.vector_load %arg10[%parallel_loop3A_148] {strides = array<i32>} : memref<2000xi32, #tpu.memory_space<vmem>>, vector<16xi32>,
        %parallel_loop3A_150 = arith.index_cast %parallel_loop3A_147 : i32 to index
        %parallel_loop3A_151 = tpu.vector_load %arg11[%parallel_loop3A_150] {strides = array<i32>} : memref<2000xi32, #tpu.memory_space<vmem>>, vector<16xi32>,
        %parallel_loop3A_152 = tpu.vector_load_idx %arg8[%parallel_loop3A_149] : memref<10000xf32, #tpu.memory_space<vmem>>[vector<16xi32>], vector<16xf32>,
        %parallel_loop3A_153 = tpu.vector_load_idx %arg8[%parallel_loop3A_151] : memref<10000xf32, #tpu.memory_space<vmem>>[vector<16xi32>], vector<16xf32>,
        %parallel_loop3A_154 = tpu.vector_load_idx %arg9[%parallel_loop3A_149] : memref<10000xf32, #tpu.memory_space<vmem>>[vector<16xi32>], vector<16xf32>,
        %parallel_loop3A_155 = tpu.vector_load_idx %arg9[%parallel_loop3A_151] : memref<10000xf32, #tpu.memory_space<vmem>>[vector<16xi32>], vector<16xf32>,
        %parallel_loop3A_156 = arith.index_cast %parallel_loop3A_147 : i32 to index
        %parallel_loop3A_157 = tpu.vector_load %arg12[%parallel_loop3A_156] {strides = array<i32>} : memref<2000xf32, #tpu.memory_space<vmem>>, vector<16xf32>,
        %parallel_loop3A_158 = arith.index_cast %parallel_loop3A_147 : i32 to index
        %parallel_loop3A_159 = tpu.vector_load %arg13[%parallel_loop3A_158] {strides = array<i32>} : memref<2000xf32, #tpu.memory_space<vmem>>, vector<16xf32>,
        %parallel_loop3A_160 = arith.mulf %parallel_loop3A_152, %parallel_loop3A_153 : vector<16xf32>
        %parallel_loop3A_161 = arith.mulf %parallel_loop3A_154, %parallel_loop3A_155 : vector<16xf32>
        %parallel_loop3A_162 = arith.addf %parallel_loop3A_160, %parallel_loop3A_161 : vector<16xf32>
        %parallel_loop3A_163 = arith.mulf %parallel_loop3A_157, %parallel_loop3A_162 : vector<16xf32>
        %parallel_loop3A_164 = arith.mulf %parallel_loop3A_154, %parallel_loop3A_153 : vector<16xf32>
        %parallel_loop3A_165 = arith.mulf %parallel_loop3A_152, %parallel_loop3A_155 : vector<16xf32>
        %parallel_loop3A_166 = arith.subf %parallel_loop3A_164, %parallel_loop3A_165 : vector<16xf32>
        %parallel_loop3A_167 = arith.mulf %parallel_loop3A_159, %parallel_loop3A_166 : vector<16xf32>
        %parallel_loop3A_168 = arith.addf %parallel_loop3A_163, %parallel_loop3A_167 : vector<16xf32>
        tpu.vector_store_idx %arg18[%parallel_loop3A_149], %parallel_loop3A_168 {add = true} : memref<10000xf32, #tpu.memory_space<vmem>>[vector<16xi32>], vector<16xf32>,
        %parallel_loop3A_169 = arith.constant 0.000000e+00 : f32
        %parallel_loop3A_170 = vector.broadcast %parallel_loop3A_169 : f32 to vector<16xf32>
        %parallel_loop3A_171 = arith.subf %parallel_loop3A_170, %parallel_loop3A_168 : vector<16xf32>
        tpu.vector_store_idx %arg18[%parallel_loop3A_151], %parallel_loop3A_171 {add = true} : memref<10000xf32, #tpu.memory_space<vmem>>[vector<16xi32>], vector<16xf32>,
      } {sc.loop_unroll_factor = 4 : i64, sc.parallel_access}
      %lt3A_118 = arith.constant 19 : i32
      %lt3A_119 = arith.cmpi slt, %scan3A_98, %lt3A_118 : i32
      %convert_element_type3A = arith.extui %lt3A_119 : i1 to i32
      %cond3A = arith.constant 0 : i32
      %cond3A_120 = arith.cmpi ne, %convert_element_type3A, %cond3A : i32
      scf.if %cond3A_120 {
        %add3A_145 = arith.constant 1 : i32
        %add3A_146 = arith.addi %scan3A_98, %add3A_145 : i32
        %mul3A_147 = arith.constant 2 : i32
        %mul3A_148 = arith.muli %mul3A_147, %add3A_146 : i32
        %add3A_149 = arith.constant 0 : i32
        %add3A_150 = arith.addi %mul3A_148, %add3A_149 : i32
        %mul3A_151 = arith.constant 80000 : i32
        %mul3A_152 = arith.muli %select_n3A_28, %mul3A_151 : i32
        %mul3A_153 = arith.constant 2000 : i32
        %mul3A_154 = arith.muli %add3A_150, %mul3A_153 : i32
        %add3A_155 = arith.addi %mul3A_152, %mul3A_154 : i32
        %dma_start3A_156 = tpu.memref_slice %arg4[%add3A_155] : memref<640000xi32, #tpu.memory_space<hbm>> -> memref<2000xi32, #tpu.memory_space<hbm>>
        %dma_start3A_157 = tpu.memref_slice %arg4[%add3A_155] : memref<640000xi32, #tpu.memory_space<hbm>> -> memref<2000xi32, #tpu.memory_space<hbm>>
        tpu.enqueue_dma source(%dma_start3A_157 : memref<2000xi32, #tpu.memory_space<hbm>>) target(%arg10 : memref<2000xi32, #tpu.memory_space<vmem>>) target_semaphore(%arg19 : memref<!tpu.dma_semaphore, #tpu.memory_space<semaphore_mem>>)
        %add3A_158 = arith.constant 320000 : i32
        %add3A_159 = arith.addi %add3A_158, %add3A_155 : i32
        %dma_start3A_160 = tpu.memref_slice %arg4[%add3A_159] : memref<640000xi32, #tpu.memory_space<hbm>> -> memref<2000xi32, #tpu.memory_space<hbm>>
        %dma_start3A_161 = tpu.memref_slice %arg4[%add3A_159] : memref<640000xi32, #tpu.memory_space<hbm>> -> memref<2000xi32, #tpu.memory_space<hbm>>
        tpu.enqueue_dma source(%dma_start3A_161 : memref<2000xi32, #tpu.memory_space<hbm>>) target(%arg11 : memref<2000xi32, #tpu.memory_space<vmem>>) target_semaphore(%arg19 : memref<!tpu.dma_semaphore, #tpu.memory_space<semaphore_mem>>)
        %mul3A_162 = arith.constant 320000 : i32
        %mul3A_163 = arith.muli %add3A_30, %mul3A_162 : i32
        %add3A_164 = arith.addi %mul3A_163, %add3A_155 : i32
        %dma_start3A_165 = tpu.memref_slice %arg5[%add3A_164] : memref<2560000xf32, #tpu.memory_space<hbm>> -> memref<2000xf32, #tpu.memory_space<hbm>>
        %dma_start3A_166 = tpu.memref_slice %arg5[%add3A_164] : memref<2560000xf32, #tpu.memory_space<hbm>> -> memref<2000xf32, #tpu.memory_space<hbm>>
        tpu.enqueue_dma source(%dma_start3A_166 : memref<2000xf32, #tpu.memory_space<hbm>>) target(%arg12 : memref<2000xf32, #tpu.memory_space<vmem>>) target_semaphore(%arg19 : memref<!tpu.dma_semaphore, #tpu.memory_space<semaphore_mem>>)
        %mul3A_167 = arith.constant 320000 : i32
        %mul3A_168 = arith.muli %add3A_30, %mul3A_167 : i32
        %add3A_169 = arith.addi %mul3A_168, %add3A_155 : i32
        %dma_start3A_170 = tpu.memref_slice %arg6[%add3A_169] : memref<2560000xf32, #tpu.memory_space<hbm>> -> memref<2000xf32, #tpu.memory_space<hbm>>
        %dma_start3A_171 = tpu.memref_slice %arg6[%add3A_169] : memref<2560000xf32, #tpu.memory_space<hbm>> -> memref<2000xf32, #tpu.memory_space<hbm>>
        tpu.enqueue_dma source(%dma_start3A_171 : memref<2000xf32, #tpu.memory_space<hbm>>) target(%arg13 : memref<2000xf32, #tpu.memory_space<vmem>>) target_semaphore(%arg19 : memref<!tpu.dma_semaphore, #tpu.memory_space<semaphore_mem>>)
      } else {
      }
      %dma_wait3A_121 = arith.constant 0 : i32
      %dma_wait3A_122 = tpu.memref_slice %arg4[%dma_wait3A_121] : memref<640000xi32, #tpu.memory_space<hbm>> -> memref<2000xi32, #tpu.memory_space<hbm>>
      %dma_wait3A_123 = arith.constant 0 : i32
      %dma_wait3A_124 = tpu.memref_slice %arg4[%dma_wait3A_123] : memref<640000xi32, #tpu.memory_space<hbm>> -> memref<2000xi32, #tpu.memory_space<hbm>>
      tpu.wait_dma2 semaphore(%arg20 : memref<!tpu.dma_semaphore, #tpu.memory_space<semaphore_mem>>) src(%dma_wait3A_124 : memref<2000xi32, #tpu.memory_space<hbm>>) dst(%arg14 : memref<2000xi32, #tpu.memory_space<vmem>>)
      %dma_wait3A_125 = arith.constant 0 : i32
      %dma_wait3A_126 = tpu.memref_slice %arg4[%dma_wait3A_125] : memref<640000xi32, #tpu.memory_space<hbm>> -> memref<2000xi32, #tpu.memory_space<hbm>>
      %dma_wait3A_127 = arith.constant 0 : i32
      %dma_wait3A_128 = tpu.memref_slice %arg4[%dma_wait3A_127] : memref<640000xi32, #tpu.memory_space<hbm>> -> memref<2000xi32, #tpu.memory_space<hbm>>
      tpu.wait_dma2 semaphore(%arg20 : memref<!tpu.dma_semaphore, #tpu.memory_space<semaphore_mem>>) src(%dma_wait3A_128 : memref<2000xi32, #tpu.memory_space<hbm>>) dst(%arg15 : memref<2000xi32, #tpu.memory_space<vmem>>)
      %dma_wait3A_129 = arith.constant 0 : i32
      %dma_wait3A_130 = tpu.memref_slice %arg5[%dma_wait3A_129] : memref<2560000xf32, #tpu.memory_space<hbm>> -> memref<2000xf32, #tpu.memory_space<hbm>>
      %dma_wait3A_131 = arith.constant 0 : i32
      %dma_wait3A_132 = tpu.memref_slice %arg5[%dma_wait3A_131] : memref<2560000xf32, #tpu.memory_space<hbm>> -> memref<2000xf32, #tpu.memory_space<hbm>>
      tpu.wait_dma2 semaphore(%arg20 : memref<!tpu.dma_semaphore, #tpu.memory_space<semaphore_mem>>) src(%dma_wait3A_132 : memref<2000xf32, #tpu.memory_space<hbm>>) dst(%arg16 : memref<2000xf32, #tpu.memory_space<vmem>>)
      %dma_wait3A_133 = arith.constant 0 : i32
      %dma_wait3A_134 = tpu.memref_slice %arg6[%dma_wait3A_133] : memref<2560000xf32, #tpu.memory_space<hbm>> -> memref<2000xf32, #tpu.memory_space<hbm>>
      %dma_wait3A_135 = arith.constant 0 : i32
      %dma_wait3A_136 = tpu.memref_slice %arg6[%dma_wait3A_135] : memref<2560000xf32, #tpu.memory_space<hbm>> -> memref<2000xf32, #tpu.memory_space<hbm>>
      tpu.wait_dma2 semaphore(%arg20 : memref<!tpu.dma_semaphore, #tpu.memory_space<semaphore_mem>>) src(%dma_wait3A_136 : memref<2000xf32, #tpu.memory_space<hbm>>) dst(%arg17 : memref<2000xf32, #tpu.memory_space<vmem>>)
      %parallel_loop3A_137 = arith.constant 0 : i32
      %parallel_loop3A_138 = arith.constant 125 : i32
      %parallel_loop3A_139 = arith.constant 1 : i32
      scf.for %parallel_loop3A_145 = %parallel_loop3A_137 to %parallel_loop3A_138 step %parallel_loop3A_139  : i32 {
        %parallel_loop3A_146 = arith.constant 16 : i32
        %parallel_loop3A_147 = arith.muli %parallel_loop3A_145, %parallel_loop3A_146 : i32
        %parallel_loop3A_148 = arith.index_cast %parallel_loop3A_147 : i32 to index
        %parallel_loop3A_149 = tpu.vector_load %arg14[%parallel_loop3A_148] {strides = array<i32>} : memref<2000xi32, #tpu.memory_space<vmem>>, vector<16xi32>,
        %parallel_loop3A_150 = arith.index_cast %parallel_loop3A_147 : i32 to index
        %parallel_loop3A_151 = tpu.vector_load %arg15[%parallel_loop3A_150] {strides = array<i32>} : memref<2000xi32, #tpu.memory_space<vmem>>, vector<16xi32>,
        %parallel_loop3A_152 = tpu.vector_load_idx %arg8[%parallel_loop3A_149] : memref<10000xf32, #tpu.memory_space<vmem>>[vector<16xi32>], vector<16xf32>,
        %parallel_loop3A_153 = tpu.vector_load_idx %arg8[%parallel_loop3A_151] : memref<10000xf32, #tpu.memory_space<vmem>>[vector<16xi32>], vector<16xf32>,
        %parallel_loop3A_154 = tpu.vector_load_idx %arg9[%parallel_loop3A_149] : memref<10000xf32, #tpu.memory_space<vmem>>[vector<16xi32>], vector<16xf32>,
        %parallel_loop3A_155 = tpu.vector_load_idx %arg9[%parallel_loop3A_151] : memref<10000xf32, #tpu.memory_space<vmem>>[vector<16xi32>], vector<16xf32>,
        %parallel_loop3A_156 = arith.index_cast %parallel_loop3A_147 : i32 to index
        %parallel_loop3A_157 = tpu.vector_load %arg16[%parallel_loop3A_156] {strides = array<i32>} : memref<2000xf32, #tpu.memory_space<vmem>>, vector<16xf32>,
        %parallel_loop3A_158 = arith.index_cast %parallel_loop3A_147 : i32 to index
        %parallel_loop3A_159 = tpu.vector_load %arg17[%parallel_loop3A_158] {strides = array<i32>} : memref<2000xf32, #tpu.memory_space<vmem>>, vector<16xf32>,
        %parallel_loop3A_160 = arith.mulf %parallel_loop3A_152, %parallel_loop3A_153 : vector<16xf32>
        %parallel_loop3A_161 = arith.mulf %parallel_loop3A_154, %parallel_loop3A_155 : vector<16xf32>
        %parallel_loop3A_162 = arith.addf %parallel_loop3A_160, %parallel_loop3A_161 : vector<16xf32>
        %parallel_loop3A_163 = arith.mulf %parallel_loop3A_157, %parallel_loop3A_162 : vector<16xf32>
        %parallel_loop3A_164 = arith.mulf %parallel_loop3A_154, %parallel_loop3A_153 : vector<16xf32>
        %parallel_loop3A_165 = arith.mulf %parallel_loop3A_152, %parallel_loop3A_155 : vector<16xf32>
        %parallel_loop3A_166 = arith.subf %parallel_loop3A_164, %parallel_loop3A_165 : vector<16xf32>
        %parallel_loop3A_167 = arith.mulf %parallel_loop3A_159, %parallel_loop3A_166 : vector<16xf32>
        %parallel_loop3A_168 = arith.addf %parallel_loop3A_163, %parallel_loop3A_167 : vector<16xf32>
        tpu.vector_store_idx %arg18[%parallel_loop3A_149], %parallel_loop3A_168 {add = true} : memref<10000xf32, #tpu.memory_space<vmem>>[vector<16xi32>], vector<16xf32>,
        %parallel_loop3A_169 = arith.constant 0.000000e+00 : f32
        %parallel_loop3A_170 = vector.broadcast %parallel_loop3A_169 : f32 to vector<16xf32>
        %parallel_loop3A_171 = arith.subf %parallel_loop3A_170, %parallel_loop3A_168 : vector<16xf32>
        tpu.vector_store_idx %arg18[%parallel_loop3A_151], %parallel_loop3A_171 {add = true} : memref<10000xf32, #tpu.memory_space<vmem>>[vector<16xi32>], vector<16xf32>,
      } {sc.loop_unroll_factor = 4 : i64, sc.parallel_access}
      %lt3A_140 = arith.constant 19 : i32
      %lt3A_141 = arith.cmpi slt, %scan3A_98, %lt3A_140 : i32
      %convert_element_type3A_142 = arith.extui %lt3A_141 : i1 to i32
      %cond3A_143 = arith.constant 0 : i32
      %cond3A_144 = arith.cmpi ne, %convert_element_type3A_142, %cond3A_143 : i32
      scf.if %cond3A_144 {
        %add3A_145 = arith.constant 1 : i32
        %add3A_146 = arith.addi %scan3A_98, %add3A_145 : i32
        %mul3A_147 = arith.constant 2 : i32
        %mul3A_148 = arith.muli %mul3A_147, %add3A_146 : i32
        %add3A_149 = arith.constant 1 : i32
        %add3A_150 = arith.addi %mul3A_148, %add3A_149 : i32
        %mul3A_151 = arith.constant 80000 : i32
        %mul3A_152 = arith.muli %select_n3A_28, %mul3A_151 : i32
        %mul3A_153 = arith.constant 2000 : i32
        %mul3A_154 = arith.muli %add3A_150, %mul3A_153 : i32
        %add3A_155 = arith.addi %mul3A_152, %mul3A_154 : i32
        %dma_start3A_156 = tpu.memref_slice %arg4[%add3A_155] : memref<640000xi32, #tpu.memory_space<hbm>> -> memref<2000xi32, #tpu.memory_space<hbm>>
        %dma_start3A_157 = tpu.memref_slice %arg4[%add3A_155] : memref<640000xi32, #tpu.memory_space<hbm>> -> memref<2000xi32, #tpu.memory_space<hbm>>
        tpu.enqueue_dma source(%dma_start3A_157 : memref<2000xi32, #tpu.memory_space<hbm>>) target(%arg14 : memref<2000xi32, #tpu.memory_space<vmem>>) target_semaphore(%arg20 : memref<!tpu.dma_semaphore, #tpu.memory_space<semaphore_mem>>)
        %add3A_158 = arith.constant 320000 : i32
        %add3A_159 = arith.addi %add3A_158, %add3A_155 : i32
        %dma_start3A_160 = tpu.memref_slice %arg4[%add3A_159] : memref<640000xi32, #tpu.memory_space<hbm>> -> memref<2000xi32, #tpu.memory_space<hbm>>
        %dma_start3A_161 = tpu.memref_slice %arg4[%add3A_159] : memref<640000xi32, #tpu.memory_space<hbm>> -> memref<2000xi32, #tpu.memory_space<hbm>>
        tpu.enqueue_dma source(%dma_start3A_161 : memref<2000xi32, #tpu.memory_space<hbm>>) target(%arg15 : memref<2000xi32, #tpu.memory_space<vmem>>) target_semaphore(%arg20 : memref<!tpu.dma_semaphore, #tpu.memory_space<semaphore_mem>>)
        %mul3A_162 = arith.constant 320000 : i32
        %mul3A_163 = arith.muli %add3A_30, %mul3A_162 : i32
        %add3A_164 = arith.addi %mul3A_163, %add3A_155 : i32
        %dma_start3A_165 = tpu.memref_slice %arg5[%add3A_164] : memref<2560000xf32, #tpu.memory_space<hbm>> -> memref<2000xf32, #tpu.memory_space<hbm>>
        %dma_start3A_166 = tpu.memref_slice %arg5[%add3A_164] : memref<2560000xf32, #tpu.memory_space<hbm>> -> memref<2000xf32, #tpu.memory_space<hbm>>
        tpu.enqueue_dma source(%dma_start3A_166 : memref<2000xf32, #tpu.memory_space<hbm>>) target(%arg16 : memref<2000xf32, #tpu.memory_space<vmem>>) target_semaphore(%arg20 : memref<!tpu.dma_semaphore, #tpu.memory_space<semaphore_mem>>)
        %mul3A_167 = arith.constant 320000 : i32
        %mul3A_168 = arith.muli %add3A_30, %mul3A_167 : i32
        %add3A_169 = arith.addi %mul3A_168, %add3A_155 : i32
        %dma_start3A_170 = tpu.memref_slice %arg6[%add3A_169] : memref<2560000xf32, #tpu.memory_space<hbm>> -> memref<2000xf32, #tpu.memory_space<hbm>>
        %dma_start3A_171 = tpu.memref_slice %arg6[%add3A_169] : memref<2560000xf32, #tpu.memory_space<hbm>> -> memref<2000xf32, #tpu.memory_space<hbm>>
        tpu.enqueue_dma source(%dma_start3A_171 : memref<2000xf32, #tpu.memory_space<hbm>>) target(%arg17 : memref<2000xf32, #tpu.memory_space<vmem>>) target_semaphore(%arg20 : memref<!tpu.dma_semaphore, #tpu.memory_space<semaphore_mem>>)
      } else {
      }
    }
    %scan3A_92 = arith.constant 20 : i32
    %mul3A_93 = arith.constant 8 : i32
    %mul3A_94 = arith.muli %select_n3A_28, %mul3A_93 : i32
    %add3A_95 = arith.addi %mul3A_94, %add3A_30 : i32
    %mul3A_96 = arith.constant 10000 : i32
    %mul3A_97 = arith.muli %add3A_95, %mul3A_96 : i32
    "tpu.region"() ({
      %run_scoped3A = tpu.sem_alloc : memref<!tpu.dma_semaphore, #tpu.memory_space<semaphore_mem>>
      %dma_start3A_98 = tpu.memref_slice %arg7[%mul3A_97] : memref<320000xf32, #tpu.memory_space<hbm>> -> memref<10000xf32, #tpu.memory_space<hbm>>
      %dma_start3A_99 = tpu.memref_slice %arg7[%mul3A_97] : memref<320000xf32, #tpu.memory_space<hbm>> -> memref<10000xf32, #tpu.memory_space<hbm>>
      tpu.enqueue_dma source(%arg18 : memref<10000xf32, #tpu.memory_space<vmem>>) target(%dma_start3A_99 : memref<10000xf32, #tpu.memory_space<hbm>>) target_semaphore(%run_scoped3A : memref<!tpu.dma_semaphore, #tpu.memory_space<semaphore_mem>>)
      %dma_wait3A_100 = tpu.memref_slice %arg7[%mul3A_97] : memref<320000xf32, #tpu.memory_space<hbm>> -> memref<10000xf32, #tpu.memory_space<hbm>>
      %dma_wait3A_101 = tpu.memref_slice %arg7[%mul3A_97] : memref<320000xf32, #tpu.memory_space<hbm>> -> memref<10000xf32, #tpu.memory_space<hbm>>
      tpu.wait_dma2 semaphore(%run_scoped3A : memref<!tpu.dma_semaphore, #tpu.memory_space<semaphore_mem>>) src(%arg18 : memref<10000xf32, #tpu.memory_space<vmem>>) dst(%dma_wait3A_101 : memref<10000xf32, #tpu.memory_space<hbm>>)
      tpu.yield
    }) : () -> ()
    return
  }
}

module attributes {stable_mosaic.version = 14 : i64} {
  func.func @_prep_kernel(%arg0: i32, %arg1: memref<8x10000xf32, #tpu.memory_space<vmem>>, %arg2: memref<8x10000xf32, #tpu.memory_space<vmem>>, %arg3: memref<8x10000xf32, #tpu.memory_space<vmem>>, %arg4: memref<8x128xf32, #tpu.memory_space<vmem>>, %arg5: memref<8x10000xf32, #tpu.memory_space<vmem>>, %arg6: memref<8x10000xf32, #tpu.memory_space<vmem>>, %arg7: memref<8x32000xf32, #tpu.memory_space<vmem>>, %arg8: memref<8x32000xf32, #tpu.memory_space<vmem>>, %arg9: memref<8x10000xf32, #tpu.memory_space<vmem>>, %arg10: memref<8x10000xf32, #tpu.memory_space<vmem>>, %arg11: memref<1x8xf32, #tpu.memory_space<smem>>) attributes {dimension_semantics = [#tpu.dimension_semantics<arbitrary>], iteration_bounds = array<i64: 10>, scalar_prefetch = 0 : i64, scratch_operands = 0 : i64, tpu.core_type = #tpu.core_type<tc>, window_params = [{pipeline_mode = #tpu.pipeline_mode<synchronous>, transform_indices = @transform_0, window_bounds = array<i64: 8, 10000>}, {pipeline_mode = #tpu.pipeline_mode<synchronous>, transform_indices = @transform_1, window_bounds = array<i64: 8, 10000>}, {pipeline_mode = #tpu.pipeline_mode<synchronous>, transform_indices = @transform_2, window_bounds = array<i64: 8, 10000>}, {pipeline_mode = #tpu.pipeline_mode<synchronous>, transform_indices = @transform_3, window_bounds = array<i64: 8, 128>}, {pipeline_mode = #tpu.pipeline_mode<synchronous>, transform_indices = @transform_4, window_bounds = array<i64: 8, 10000>}, {pipeline_mode = #tpu.pipeline_mode<synchronous>, transform_indices = @transform_5, window_bounds = array<i64: 8, 10000>}, {transform_indices = @transform_6, window_bounds = array<i64: 8, 32000>}, {transform_indices = @transform_7, window_bounds = array<i64: 8, 32000>}, {pipeline_mode = #tpu.pipeline_mode<synchronous>, transform_indices = @transform_8, window_bounds = array<i64: 8, 10000>}, {pipeline_mode = #tpu.pipeline_mode<synchronous>, transform_indices = @transform_9, window_bounds = array<i64: 8, 10000>}, {transform_indices = @transform_10, window_bounds = array<i64: 1, 8>}]} {
    %eq3A = arith.constant 0 : i32
    %eq3A_0 = arith.cmpi eq, %arg0, %eq3A : i32
    %convert_element_type3A = arith.extui %eq3A_0 : i1 to i32
    %cond3A = arith.constant 0 : i32
    %cond3A_1 = arith.cmpi ne, %convert_element_type3A, %cond3A : i32
    scf.if %cond3A_1 {
      %get3A_18 = arith.constant 0 : index
      %get3A_19 = arith.constant 0 : index
      %get3A_20 = vector.load %arg1[%get3A_18, %get3A_19] : memref<8x10000xf32, #tpu.memory_space<vmem>>, vector<8x10000xf32>
      %jit3A = arith.constant 1.000000e-07 : f32
      %jit3A_21 = arith.constant 0.99999988 : f32
      %max3A_22 = vector.broadcast %jit3A : f32 to vector<8x10000xf32>
      %max3A_23 = arith.maximumf %max3A_22, %get3A_20 : vector<8x10000xf32>
      %min3A = vector.broadcast %jit3A_21 : f32 to vector<8x10000xf32>
      %min3A_24 = arith.minimumf %min3A, %max3A_23 : vector<8x10000xf32>
      %get3A_25 = arith.constant 0 : index
      %get3A_26 = arith.constant 0 : index
      %get3A_27 = vector.load %arg2[%get3A_25, %get3A_26] : memref<8x10000xf32, #tpu.memory_space<vmem>>, vector<8x10000xf32>
      %log3A = math.log %min3A_24 : vector<8x10000xf32>
      %mul3A_28 = arith.mulf %get3A_27, %log3A : vector<8x10000xf32>
      %sub3A_29 = arith.constant 1.000000e+00 : f32
      %sub3A_30 = vector.broadcast %sub3A_29 : f32 to vector<8x10000xf32>
      %sub3A_31 = arith.subf %sub3A_30, %get3A_27 : vector<8x10000xf32>
      %sub3A_32 = arith.constant 1.000000e+00 : f32
      %sub3A_33 = vector.broadcast %sub3A_32 : f32 to vector<8x10000xf32>
      %sub3A_34 = arith.subf %sub3A_33, %min3A_24 : vector<8x10000xf32>
      %log3A_35 = math.log %sub3A_34 : vector<8x10000xf32>
      %mul3A_36 = arith.mulf %sub3A_31, %log3A_35 : vector<8x10000xf32>
      %add3A_37 = arith.addf %mul3A_28, %mul3A_36 : vector<8x10000xf32>
      %reduce_sum3A_38 = vector.shape_cast %add3A_37 : vector<8x10000xf32> to vector<1x8x10000xf32>
      %reduce_sum3A_39 = arith.constant dense<0.000000e+00> : vector<1xf32>
      %reduce_sum3A_40 = vector.multi_reduction <add>, %reduce_sum3A_38, %reduce_sum3A_39 [1, 2] : vector<1x8x10000xf32> to vector<1xf32>
      %reduce_sum3A_41 = vector.shape_cast %reduce_sum3A_40 : vector<1xf32> to vector<1x1x1xf32>
      %reduce_sum3A_42 = vector.extract %reduce_sum3A_41[0, 0, 0] : f32 from vector<1x1x1xf32>
      %gt3A = arith.constant 5.000000e-01 : f32
      %gt3A_43 = vector.broadcast %gt3A : f32 to vector<8x10000xf32>
      %gt3A_44 = arith.cmpf ogt, %get3A_27, %gt3A_43 : vector<8x10000xf32>
      %convert_element_type3A_45 = arith.extui %gt3A_44 : vector<8x10000xi1> to vector<8x10000xi32>
      %convert_element_type3A_46 = arith.sitofp %convert_element_type3A_45 : vector<8x10000xi32> to vector<8x10000xf32>
      %reduce_sum3A_47 = vector.shape_cast %convert_element_type3A_46 : vector<8x10000xf32> to vector<1x8x10000xf32>
      %reduce_sum3A_48 = arith.constant dense<0.000000e+00> : vector<1xf32>
      %reduce_sum3A_49 = vector.multi_reduction <add>, %reduce_sum3A_47, %reduce_sum3A_48 [1, 2] : vector<1x8x10000xf32> to vector<1xf32>
      %reduce_sum3A_50 = vector.shape_cast %reduce_sum3A_49 : vector<1xf32> to vector<1x1x1xf32>
      %reduce_sum3A_51 = vector.extract %reduce_sum3A_50[0, 0, 0] : f32 from vector<1x1x1xf32>
      %get3A_52 = arith.constant 0 : index
      %get3A_53 = arith.constant 0 : index
      %get3A_54 = vector.load %arg4[%get3A_52, %get3A_53] : memref<8x128xf32, #tpu.memory_space<vmem>>, vector<8x128xf32>
      %slice3A = vector.extract_strided_slice %get3A_54 {offsets = [0, 0], sizes = [8, 1], strides = [1, 1]} : vector<8x128xf32> to vector<8x1xf32>
      %get3A_55 = arith.constant 0 : index
      %get3A_56 = arith.constant 0 : index
      %get3A_57 = vector.load %arg3[%get3A_55, %get3A_56] : memref<8x10000xf32, #tpu.memory_space<vmem>>, vector<8x10000xf32>
      %sub3A_58 = vector.broadcast %slice3A : vector<8x1xf32> to vector<8x10000xf32>
      %sub3A_59 = arith.subf %get3A_57, %sub3A_58 : vector<8x10000xf32>
      %integer_pow3A = arith.mulf %sub3A_59, %sub3A_59 : vector<8x10000xf32>
      %jit3A_60 = arith.constant 0.000000e+00 : f32
      %broadcast_in_dim3A = vector.broadcast %jit3A_60 : f32 to vector<8x10000xf32>
      %select_n3A = arith.select %gt3A_44, %integer_pow3A, %broadcast_in_dim3A : vector<8x10000xi1>, vector<8x10000xf32>
      %reduce_sum3A_61 = vector.shape_cast %select_n3A : vector<8x10000xf32> to vector<1x8x10000xf32>
      %reduce_sum3A_62 = arith.constant dense<0.000000e+00> : vector<1xf32>
      %reduce_sum3A_63 = vector.multi_reduction <add>, %reduce_sum3A_61, %reduce_sum3A_62 [1, 2] : vector<1x8x10000xf32> to vector<1xf32>
      %reduce_sum3A_64 = vector.shape_cast %reduce_sum3A_63 : vector<1xf32> to vector<1x1x1xf32>
      %reduce_sum3A_65 = vector.extract %reduce_sum3A_64[0, 0, 0] : f32 from vector<1x1x1xf32>
      %get3A_66 = arith.constant 0 : index
      %get3A_67 = arith.constant 0 : index
      %get3A_68 = vector.load %arg5[%get3A_66, %get3A_67] : memref<8x10000xf32, #tpu.memory_space<vmem>>, vector<8x10000xf32>
      %sub3A_69 = arith.constant 0.949999988 : f32
      %sub3A_70 = vector.broadcast %sub3A_69 : f32 to vector<8x10000xf32>
      %sub3A_71 = arith.subf %sub3A_70, %get3A_68 : vector<8x10000xf32>
      %max3A_72 = arith.constant 0.000000e+00 : f32
      %max3A_73 = vector.broadcast %max3A_72 : f32 to vector<8x10000xf32>
      %max3A_74 = arith.maximumf %sub3A_71, %max3A_73 : vector<8x10000xf32>
      %sub3A_75 = arith.constant 1.050000e+00 : f32
      %sub3A_76 = vector.broadcast %sub3A_75 : f32 to vector<8x10000xf32>
      %sub3A_77 = arith.subf %get3A_68, %sub3A_76 : vector<8x10000xf32>
      %max3A_78 = arith.constant 0.000000e+00 : f32
      %max3A_79 = vector.broadcast %max3A_78 : f32 to vector<8x10000xf32>
      %max3A_80 = arith.maximumf %sub3A_77, %max3A_79 : vector<8x10000xf32>
      %mul3A_81 = arith.mulf %max3A_74, %max3A_74 : vector<8x10000xf32>
      %mul3A_82 = arith.mulf %max3A_80, %max3A_80 : vector<8x10000xf32>
      %add3A_83 = arith.addf %mul3A_81, %mul3A_82 : vector<8x10000xf32>
      %reduce_sum3A_84 = vector.shape_cast %add3A_83 : vector<8x10000xf32> to vector<1x8x10000xf32>
      %reduce_sum3A_85 = arith.constant dense<0.000000e+00> : vector<1xf32>
      %reduce_sum3A_86 = vector.multi_reduction <add>, %reduce_sum3A_84, %reduce_sum3A_85 [1, 2] : vector<1x8x10000xf32> to vector<1xf32>
      %reduce_sum3A_87 = vector.shape_cast %reduce_sum3A_86 : vector<1xf32> to vector<1x1x1xf32>
      %reduce_sum3A_88 = vector.extract %reduce_sum3A_87[0, 0, 0] : f32 from vector<1x1x1xf32>
      %get3A_89 = arith.constant 0 : index
      %get3A_90 = arith.constant 0 : index
      %get3A_91 = vector.load %arg6[%get3A_89, %get3A_90] : memref<8x10000xf32, #tpu.memory_space<vmem>>, vector<8x10000xf32>
      %cos3A = math.cos %get3A_91 : vector<8x10000xf32>
      %mul3A_92 = arith.mulf %get3A_68, %cos3A : vector<8x10000xf32>
      %swap3A_93 = arith.constant 0 : index
      %swap3A_94 = arith.constant 0 : index
      %swap3A_95 = vector.load %arg9[%swap3A_93, %swap3A_94] : memref<8x10000xf32, #tpu.memory_space<vmem>>, vector<8x10000xf32>
      tpu.vector_store %arg9[%swap3A_93, %swap3A_94], %mul3A_92 {strides = array<i32>} : memref<8x10000xf32, #tpu.memory_space<vmem>>, vector<8x10000xf32>,
      %get3A_96 = arith.constant 0 : index
      %get3A_97 = arith.constant 0 : index
      %get3A_98 = vector.load %arg6[%get3A_96, %get3A_97] : memref<8x10000xf32, #tpu.memory_space<vmem>>, vector<8x10000xf32>
      %sin3A = math.sin %get3A_98 : vector<8x10000xf32>
      %mul3A_99 = arith.mulf %get3A_68, %sin3A : vector<8x10000xf32>
      %swap3A_100 = arith.constant 0 : index
      %swap3A_101 = arith.constant 0 : index
      %swap3A_102 = vector.load %arg10[%swap3A_100, %swap3A_101] : memref<8x10000xf32, #tpu.memory_space<vmem>>, vector<8x10000xf32>
      tpu.vector_store %arg10[%swap3A_100, %swap3A_101], %mul3A_99 {strides = array<i32>} : memref<8x10000xf32, #tpu.memory_space<vmem>>, vector<8x10000xf32>,
      %swap3A_103 = arith.constant 0 : index
      %swap3A_104 = arith.constant 0 : index
      %swap3A_105 = memref.load %arg11[%swap3A_103, %swap3A_104] : memref<1x8xf32, #tpu.memory_space<smem>>
      memref.store %reduce_sum3A_42, %arg11[%swap3A_103, %swap3A_104] : memref<1x8xf32, #tpu.memory_space<smem>>
      %swap3A_106 = arith.constant 0 : index
      %swap3A_107 = arith.constant 1 : index
      %swap3A_108 = memref.load %arg11[%swap3A_106, %swap3A_107] : memref<1x8xf32, #tpu.memory_space<smem>>
      memref.store %reduce_sum3A_51, %arg11[%swap3A_106, %swap3A_107] : memref<1x8xf32, #tpu.memory_space<smem>>
      %swap3A_109 = arith.constant 0 : index
      %swap3A_110 = arith.constant 2 : index
      %swap3A_111 = memref.load %arg11[%swap3A_109, %swap3A_110] : memref<1x8xf32, #tpu.memory_space<smem>>
      memref.store %reduce_sum3A_65, %arg11[%swap3A_109, %swap3A_110] : memref<1x8xf32, #tpu.memory_space<smem>>
      %swap3A_112 = arith.constant 0 : index
      %swap3A_113 = arith.constant 3 : index
      %swap3A_114 = memref.load %arg11[%swap3A_112, %swap3A_113] : memref<1x8xf32, #tpu.memory_space<smem>>
      memref.store %reduce_sum3A_88, %arg11[%swap3A_112, %swap3A_113] : memref<1x8xf32, #tpu.memory_space<smem>>
      %swap3A_115 = arith.constant 0.000000e+00 : f32
      %swap3A_116 = arith.constant 0 : index
      %swap3A_117 = arith.constant 4 : index
      %swap3A_118 = memref.load %arg11[%swap3A_116, %swap3A_117] : memref<1x8xf32, #tpu.memory_space<smem>>
      memref.store %swap3A_115, %arg11[%swap3A_116, %swap3A_117] : memref<1x8xf32, #tpu.memory_space<smem>>
    } else {
    }
    %get3A = arith.constant 0 : index
    %get3A_2 = arith.constant 0 : index
    %get3A_3 = vector.load %arg7[%get3A, %get3A_2] : memref<8x32000xf32, #tpu.memory_space<vmem>>, vector<8x32000xf32>
    %get3A_4 = arith.constant 0 : index
    %get3A_5 = arith.constant 0 : index
    %get3A_6 = vector.load %arg8[%get3A_4, %get3A_5] : memref<8x32000xf32, #tpu.memory_space<vmem>>, vector<8x32000xf32>
    %sub3A = arith.subf %get3A_3, %get3A_6 : vector<8x32000xf32>
    %max3A = arith.constant 0.000000e+00 : f32
    %max3A_7 = vector.broadcast %max3A : f32 to vector<8x32000xf32>
    %max3A_8 = arith.maximumf %sub3A, %max3A_7 : vector<8x32000xf32>
    %get3A_9 = arith.constant 0 : index
    %get3A_10 = arith.constant 4 : index
    %get3A_11 = memref.load %arg11[%get3A_9, %get3A_10] : memref<1x8xf32, #tpu.memory_space<smem>>
    %mul3A = arith.mulf %max3A_8, %max3A_8 : vector<8x32000xf32>
    %reduce_sum3A = vector.shape_cast %mul3A : vector<8x32000xf32> to vector<1x8x32000xf32>
    %reduce_sum3A_12 = arith.constant dense<0.000000e+00> : vector<1xf32>
    %reduce_sum3A_13 = vector.multi_reduction <add>, %reduce_sum3A, %reduce_sum3A_12 [1, 2] : vector<1x8x32000xf32> to vector<1xf32>
    %reduce_sum3A_14 = vector.shape_cast %reduce_sum3A_13 : vector<1xf32> to vector<1x1x1xf32>
    %reduce_sum3A_15 = vector.extract %reduce_sum3A_14[0, 0, 0] : f32 from vector<1x1x1xf32>
    %add3A = arith.addf %get3A_11, %reduce_sum3A_15 : f32
    %swap3A = arith.constant 0 : index
    %swap3A_16 = arith.constant 4 : index
    %swap3A_17 = memref.load %arg11[%swap3A, %swap3A_16] : memref<1x8xf32, #tpu.memory_space<smem>>
    memref.store %add3A, %arg11[%swap3A, %swap3A_16] : memref<1x8xf32, #tpu.memory_space<smem>>
    return
  }
  func.func @transform_0(%arg0: i32) -> (i32, i32) {
    %c0_i32 = arith.constant 0 : i32
    %c0_i32_0 = arith.constant 0 : i32
    %c0_i32_1 = arith.constant 0 : i32
    return %c0_i32, %c0_i32_0 : i32, i32
  }
  func.func @transform_1(%arg0: i32) -> (i32, i32) {
    %c0_i32 = arith.constant 0 : i32
    %c0_i32_0 = arith.constant 0 : i32
    %c0_i32_1 = arith.constant 0 : i32
    return %c0_i32, %c0_i32_0 : i32, i32
  }
  func.func @transform_2(%arg0: i32) -> (i32, i32) {
    %c0_i32 = arith.constant 0 : i32
    %c0_i32_0 = arith.constant 0 : i32
    %c0_i32_1 = arith.constant 0 : i32
    return %c0_i32, %c0_i32_0 : i32, i32
  }
  func.func @transform_3(%arg0: i32) -> (i32, i32) {
    %c0_i32 = arith.constant 0 : i32
    %c0_i32_0 = arith.constant 0 : i32
    %c0_i32_1 = arith.constant 0 : i32
    return %c0_i32, %c0_i32_0 : i32, i32
  }
  func.func @transform_4(%arg0: i32) -> (i32, i32) {
    %c0_i32 = arith.constant 0 : i32
    %c0_i32_0 = arith.constant 0 : i32
    %c0_i32_1 = arith.constant 0 : i32
    return %c0_i32, %c0_i32_0 : i32, i32
  }
  func.func @transform_5(%arg0: i32) -> (i32, i32) {
    %c0_i32 = arith.constant 0 : i32
    %c0_i32_0 = arith.constant 0 : i32
    %c0_i32_1 = arith.constant 0 : i32
    return %c0_i32, %c0_i32_0 : i32, i32
  }
  func.func @transform_6(%arg0: i32) -> (i32, i32) {
    %c0_i32 = arith.constant 0 : i32
    %c0_i32_0 = arith.constant 0 : i32
    return %c0_i32, %arg0 : i32, i32
  }
  func.func @transform_7(%arg0: i32) -> (i32, i32) {
    %c0_i32 = arith.constant 0 : i32
    %c0_i32_0 = arith.constant 0 : i32
    return %c0_i32, %arg0 : i32, i32
  }
  func.func @transform_8(%arg0: i32) -> (i32, i32) {
    %c0_i32 = arith.constant 0 : i32
    %c0_i32_0 = arith.constant 0 : i32
    %c0_i32_1 = arith.constant 0 : i32
    return %c0_i32, %c0_i32_0 : i32, i32
  }
  func.func @transform_9(%arg0: i32) -> (i32, i32) {
    %c0_i32 = arith.constant 0 : i32
    %c0_i32_0 = arith.constant 0 : i32
    %c0_i32_1 = arith.constant 0 : i32
    return %c0_i32, %c0_i32_0 : i32, i32
  }
  func.func @transform_10(%arg0: i32) -> (i32, i32) {
    %c0_i32 = arith.constant 0 : i32
    %c0_i32_0 = arith.constant 0 : i32
    %c0_i32_1 = arith.constant 0 : i32
    return %c0_i32, %c0_i32_0 : i32, i32
  }
}

module attributes {stable_mosaic.version = 14 : i64} {
  func.func @_final_kernel(%arg0: memref<4x8x10000xf32, #tpu.memory_space<vmem>>, %arg1: memref<8x10000xf32, #tpu.memory_space<vmem>>, %arg2: memref<1x1xf32, #tpu.memory_space<smem>>) attributes {dimension_semantics = [], scalar_prefetch = 0 : i64, scratch_operands = 0 : i64, tpu.core_type = #tpu.core_type<tc>} {
    %get3A = arith.constant 0 : index
    %get3A_0 = arith.constant 0 : index
    %get3A_1 = arith.constant 0 : index
    %get3A_2 = vector.load %arg0[%get3A, %get3A_0, %get3A_1] : memref<4x8x10000xf32, #tpu.memory_space<vmem>>, vector<1x8x10000xf32>
    %get3A_3 = vector.shape_cast %get3A_2 : vector<1x8x10000xf32> to vector<8x10000xf32>
    %get3A_4 = arith.constant 1 : index
    %get3A_5 = arith.constant 0 : index
    %get3A_6 = arith.constant 0 : index
    %get3A_7 = vector.load %arg0[%get3A_4, %get3A_5, %get3A_6] : memref<4x8x10000xf32, #tpu.memory_space<vmem>>, vector<1x8x10000xf32>
    %get3A_8 = vector.shape_cast %get3A_7 : vector<1x8x10000xf32> to vector<8x10000xf32>
    %add3A = arith.addf %get3A_3, %get3A_8 : vector<8x10000xf32>
    %get3A_9 = arith.constant 2 : index
    %get3A_10 = arith.constant 0 : index
    %get3A_11 = arith.constant 0 : index
    %get3A_12 = vector.load %arg0[%get3A_9, %get3A_10, %get3A_11] : memref<4x8x10000xf32, #tpu.memory_space<vmem>>, vector<1x8x10000xf32>
    %get3A_13 = vector.shape_cast %get3A_12 : vector<1x8x10000xf32> to vector<8x10000xf32>
    %add3A_14 = arith.addf %add3A, %get3A_13 : vector<8x10000xf32>
    %get3A_15 = arith.constant 3 : index
    %get3A_16 = arith.constant 0 : index
    %get3A_17 = arith.constant 0 : index
    %get3A_18 = vector.load %arg0[%get3A_15, %get3A_16, %get3A_17] : memref<4x8x10000xf32, #tpu.memory_space<vmem>>, vector<1x8x10000xf32>
    %get3A_19 = vector.shape_cast %get3A_18 : vector<1x8x10000xf32> to vector<8x10000xf32>
    %add3A_20 = arith.addf %add3A_14, %get3A_19 : vector<8x10000xf32>
    %get3A_21 = arith.constant 0 : index
    %get3A_22 = arith.constant 0 : index
    %get3A_23 = vector.load %arg1[%get3A_21, %get3A_22] : memref<8x10000xf32, #tpu.memory_space<vmem>>, vector<8x10000xf32>
    %sub3A = arith.subf %add3A_20, %get3A_23 : vector<8x10000xf32>
    %mul3A = arith.mulf %sub3A, %sub3A : vector<8x10000xf32>
    %reduce_sum3A = vector.shape_cast %mul3A : vector<8x10000xf32> to vector<1x8x10000xf32>
    %reduce_sum3A_24 = arith.constant dense<0.000000e+00> : vector<1xf32>
    %reduce_sum3A_25 = vector.multi_reduction <add>, %reduce_sum3A, %reduce_sum3A_24 [1, 2] : vector<1x8x10000xf32> to vector<1xf32>
    %reduce_sum3A_26 = vector.shape_cast %reduce_sum3A_25 : vector<1xf32> to vector<1x1x1xf32>
    %reduce_sum3A_27 = vector.extract %reduce_sum3A_26[0, 0, 0] : f32 from vector<1x1x1xf32>
    %swap3A = arith.constant 0 : index
    %swap3A_28 = arith.constant 0 : index
    %swap3A_29 = memref.load %arg2[%swap3A, %swap3A_28] : memref<1x1xf32, #tpu.memory_space<smem>>
    memref.store %reduce_sum3A_27, %arg2[%swap3A, %swap3A_28] : memref<1x1xf32, #tpu.memory_space<smem>>
    return
  }
}

</mosaic_0001>

<sc_bundles>
// kernel: kernel.5.cloned.1.call-start
scs
__scs_entry_jumppad:
0x0: {  	(pc) =	sbr.rel $0x88, $3  }
0x1: {  	(tag) =	ssettag $0x0;
	lr =	simm.s32 $0x1  }
0x2: {  	[smem:$0x3F95] =	sst lr;
	_ =	strace $0xD0000000  }
0x3: {  	_ = 	snop  }
0x4: {  	_ = 	snop  }
0x5: {  	_ = 	snop  }
0x6: {  	_ = 	snop  }
0x7: {  	_ = 	snop  }
__scs_overlays_trampoline_lowered:
0x8: {  	[smem:$0x3FA4] =	sst s0  }
0x9: {  	[smem:$0x3FA5] =	sst s1  }
0xa: {  	[smem:$0x3FA6] =	sst s2  }
0xb: {  	[smem:$0x3FA7] =	sst s3  }
0xc: {  	[smem:$0x3FA8] =	sst s4  }
0xd: {  	[smem:$0x3FA9] =	sst s5  }
0xe: {  	[smem:$0x3FAA] =	sst s6  }
0xf: {  	[smem:$0x3FAB] =	sst s7  }
0x10: {  	[smem:$0x3FAC] =	sst s8  }
0x11: {  	[smem:$0x3FAD] =	sst s9;
	s0 =	simm.s32 @!p0 $0x0  }
0x12: {  	s1 =	sld [smem:$0x3F93];
	s0 =	simm.s32 @p0 $0x1  }
0x13: {  	[smem:$0x3FAE] =	sst s0;
	s0 =	simm.s32 @!p1 $0x0  }
0x14: {  	s2 =	sld [smem:$0x3F92];
	s0 =	simm.s32 @p1 $0x1  }
0x15: {  	[smem:$0x3FAF] =	sst s0;
	s0 =	simm.s32 @!p2 $0x0  }
0x16: {  	s3 =	sld [smem:$0x3FDB];
	s0 =	simm.s32 @p2 $0x1  }
0x17: {  	s4 =	simm.s32 $0x1BF5;
	[smem:$0x3FB1] =	sst s0  }
0x18: {  	s0 =	sld [smem:$0x3F94];
	_ =	swait.ge [sflag:s4], $0x0  }
0x19: {  	s7 =	sld [smem:$0x3F95]  }
0x1a: {  	s8 =	sadd.s32 $0xFFFFE003, lr  }
0x1b: {  	s9 =	sadd.s32 $0xFFFFFEF7, lr;
	s5 =	simm.s32 $0xFFFFFFFF;
	p2 =	slt.u32 s8, $0xFFFFF086  }
0x1c: {  	p1 =	slt.u32 s9, $0xF7A;
	s5 =	simm.s32 @!p2 $0x0  }
0x1d: {  	s5 =	simm.s32 @p1 $0x1;
	p0 =	seq.s32 s7, s2  }
0x1e: {  	s7 =	smul.u32 @!p0 $0xF7A, s2;
	p2 =	seq.s32 @!p0 s5, $0x0  }
0x1f: {  	s9 =	smul.u32 $0xF7A, s1;
	s8 =	simm.s32 @!p0 $0x1BF5;
	p2 =	por !p2, p0  }
0x20: {  	[sflag:s8] =	ssyncset.s32 @!p0 $0xFFFFF086;
	s6 =	sadd.s32 @!p0 s3, s7;
	s7 =	simm.s32 @!p0 $0x108  }
0x21: {  	s3 =	sadd.s32 s3, s9;
	s6 =	sadd.s32 @!p0 $0x88, s6;
	s7 =	simm.s32 @p2 $0x1082  }
0x22: {  	[simem:s7], [sflag:s8] =	dma.local @!p0 [hbm:s6], $0xF7A  }
0x23: {  	s9 =	sor.u32 $0xD0000000, s2;
	s6 =	simm.s32 $0x108;
	_ =	swait.ge @!p0 [sflag:s8], $0x0  }
0x24: {  	s3 =	sadd.s32 $0x88, s3;
	s6 =	simm.s32 @!p1 $0x1082;
	[sflag:s4] =	ssyncset.s32 $0xFFFFF086  }
0x25: {  	[simem:s6], [sflag:s4] =	dma.local [hbm:s3], $0xF7A  }
0x26: {  	[smem:$0x3F95] =	sst s1;
	(tag) =	ssettag s2;
	_ =	strace s9  }
0x27: {  	s1 =	sld [smem:$0x3FA5]  }
0x28: {  	s2 =	sld [smem:$0x3FA6]  }
0x29: {  	s4 =	sld [smem:$0x3FA8]  }
0x2a: {  	p0 =	seq.s32 s5, $0x0;
	s5 =	sld [smem:$0x3FA9]  }
0x2b: {  	s6 =	sld [smem:$0x3FAA]  }
0x2c: {  	s7 =	sld [smem:$0x3FAB]  }
0x2d: {  	s3 =	simm.s32 $0x108;
	s8 =	sld [smem:$0x3FAC]  }
0x2e: {  	s3 =	simm.s32 @!p0 $0x1082;
	s9 =	sld [smem:$0x3FAD]  }
0x2f: {  	lr =	sadd.s32 s0, s3;
	s0 =	sld [smem:$0x3FA4]  }
0x30: {  	s3 =	sld [smem:$0x3FA7]  }
0x31: {  	[smem:$0x3FB0] =	sst s10  }
0x32: {  	s10 =	sld [smem:$0x3FAE];
	_ =	sdelay $0x3  }
0x33: {  	p0 =	seq.s32 s10, $0x1;
	s10 =	sld [smem:$0x3FB0];
	_ =	sdelay $0x3  }
0x34: {  	[smem:$0x3FB0] =	sst s10  }
0x35: {  	s10 =	sld [smem:$0x3FAF];
	_ =	sdelay $0x3  }
0x36: {  	p1 =	seq.s32 s10, $0x1;
	s10 =	sld [smem:$0x3FB0];
	_ =	sdelay $0x3  }
0x37: {  	[smem:$0x3FB0] =	sst s10  }
0x38: {  	s10 =	sld [smem:$0x3FB1]  }
0x39: {  	_ = 	snop;
	(pc) =	sbr.ind lr, $3  }
0x3a: {  	_ = 	snop  }
0x3b: {  	_ = 	snop  }
0x3c: {  	p2 =	seq.s32 s10, $0x1;
	s10 =	sld [smem:$0x3FB0]  }
0x3d: {  	_ =	shalt  }
0x3e: {  	_ =	shalt  }
0x3f: {  	_ =	shalt  }
0x40: {  	_ =	shalt  }
0x41: {  	_ =	shalt  }
0x42: {  	_ =	shalt  }
0x43: {  	_ =	shalt  }
0x44: {  	_ =	shalt  }
0x45: {  	_ =	shalt  }
0x46: {  	_ =	shalt  }
0x47: {  	_ =	shalt  }
0x48: {  	_ =	shalt  }
0x49: {  	_ =	shalt  }
0x4a: {  	_ =	shalt  }
0x4b: {  	_ =	shalt  }
0x4c: {  	_ =	shalt  }
0x4d: {  	_ =	shalt  }
0x4e: {  	_ =	shalt  }
0x4f: {  	_ =	shalt  }
0x50: {  	_ =	shalt  }
0x51: {  	_ =	shalt  }
0x52: {  	_ =	shalt  }
0x53: {  	_ =	shalt  }
0x54: {  	_ =	shalt  }
0x55: {  	_ =	shalt  }
0x56: {  	_ =	shalt  }
0x57: {  	_ =	shalt  }
0x58: {  	_ =	shalt  }
0x59: {  	_ =	shalt  }
0x5a: {  	_ =	shalt  }
0x5b: {  	_ =	shalt  }
0x5c: {  	_ =	shalt  }
0x5d: {  	_ =	shalt  }
0x5e: {  	_ =	shalt  }
0x5f: {  	_ =	shalt  }
0x60: {  	_ =	shalt  }
0x61: {  	_ =	shalt  }
0x62: {  	_ =	shalt  }
0x63: {  	_ =	shalt  }
0x64: {  	_ =	shalt  }
0x65: {  	_ =	shalt  }
0x66: {  	_ =	shalt  }
0x67: {  	_ =	shalt  }
0x68: {  	_ =	shalt  }
0x69: {  	_ =	shalt  }
0x6a: {  	_ =	shalt  }
0x6b: {  	_ =	shalt  }
0x6c: {  	_ =	shalt  }
0x6d: {  	_ =	shalt  }
0x6e: {  	_ =	shalt  }
0x6f: {  	_ =	shalt  }
0x70: {  	_ =	shalt  }
0x71: {  	_ =	shalt  }
0x72: {  	_ =	shalt  }
0x73: {  	_ =	shalt  }
0x74: {  	_ =	shalt  }
0x75: {  	_ =	shalt  }
0x76: {  	_ =	shalt  }
0x77: {  	_ =	shalt  }
0x78: {  	_ =	shalt  }
0x79: {  	_ =	shalt  }
0x7a: {  	_ =	shalt  }
0x7b: {  	_ =	shalt  }
0x7c: {  	_ =	shalt  }
0x7d: {  	_ =	shalt  }
0x7e: {  	_ =	shalt  }
0x7f: {  	_ =	shalt  }
0x80: {  	_ =	shalt  }
0x81: {  	_ =	shalt  }
0x82: {  	_ =	shalt  }
0x83: {  	_ =	shalt  }
0x84: {  	_ =	shalt  }
0x85: {  	_ =	shalt  }
0x86: {  	_ =	shalt  }
0x87: {  	_ =	shalt  }
.Lfunc_end0:
.L_simem_size_0:
called_computation_lowered:
.L_overlay_start_0:
0x88: {  	s2 =	sld [smem:$0x3FD9]  }
0x89: {  	s3 =	sld [smem:$0x3FFE];
	_ =	sdelay $0x1  }
0x8a: {  	s1 =	srdreg.scid  }
0x8b: {  	s0 =	sand.u32 $0x1, s1  }
0x8c: {  	s17 =	sshll.u32 s0, $0xA;
	s2 =	sadd.s32 s3, s2  }
0x8d: {  	s2 =	sadd.s32 s2, s17  }
0x8e: {  	[smem:$0x3FBC] =	sst s2  }
0x8f: {  	_ = 	snop  }
0x90: {  	s2 =	sld [smem:$0x3FC2]  }
0x91: {  	s18 =	sld [smem:$0x3FC1];
	(tm) =	ssettm $0x1  }
0x92: {  	s4 =	sld [smem:$0x3FFB];
	_ =	sdelay $0x3  }
0x93: {  	_ =	strace s4  }
0x94: {  	s4 =	sld [smem:$0x3FFC];
	_ =	sdelay $0x3  }
0x95: {  	_ =	strace s4  }
0x96: {  	s4 =	sld [smem:$0x3FFD];
	_ =	sdelay $0x3  }
0x97: {  	_ =	strace s4  }
0x98: {  	_ =	strace $0x8FFFFFFF  }
0x99: {  	s19 =	sld [smem:$0x3FDB];
	_ =	sdelay $0x1  }
0x9a: {  	s5 =	simm.s32 $_scs_section_size  }
0x9b: {  	s6 =	simm.s32 $_size__tile_overlayer_lowered;
	s7 =	simm.s32 $_tile_overlayer_lowered  }
0x9c: {  	s22 =	simm.s32 $0x1BFF;
	s21 =	sshll.u32 s7, $0x1;
	s4 =	sadd.s32 s5, s19  }
0x9d: {  	s8 =	simm.s32 $0x0;
	s20 =	sshll.u32 s6, $0x1;
	s6 =	sadd.s32 s21, s4  }
0x9e: {  	[timem:s8], [sflag:s22] =	dma.local [hbm:s6], s20  }
0x9f: {  	_ =	swait.ge [sflag:s22], s20  }
0xa0: {  	s5 =	ssub.s32 $0x0, s20;
	[sflag:s22] =	ssyncset.done $0x0  }
0xa1: {  	[sflag:s22] =	ssyncadd.s32 s5;
	_ =	sdelay $0x1  }
0xa2: {  	s23 =	simm.s32 $0x1B8B  }
0xa3: {  	_ =	swait.ge [sflag:s23], $0x1  }
0xa4: {  	[sflag:s23] =	ssyncset.done $0x0  }
0xa5: {  	s25 =	simm.s32 $0x1B8E;
	s24 =	sld [smem:$0x3FFE];
	[sflag:s23] =	ssyncadd.s32 $0xFFFFFFFF  }
0xa6: {  	s26 =	simm.s32 $execute0_lowered;
	[smem:$0x3FD2] =	sst s25  }
0xa7: {  	s6 =	sshll.u32 s26, $0x1;
	_ =	strace $0x80000046;
	[dreg:$0x1] =	wrdreg $0xFFFFFFFF  }
0xa8: {  	s28 =	simm.s32 $_size_execute0_lowered;
	s4 =	sadd.s32 s4, s6;
	[dreg:$0x0] =	wrdreg $0x0  }
0xa9: {  	s6 =	sshll.u32 s28, $0x1;
	[dreg:$0x2] =	wrdreg s4  }
0xaa: {  	[dreg:$0x3] =	wrdreg s6  }
0xab: {  	[dreg:$0x4] =	wrdreg $0xC0  }
0xac: {  	_ =	task [dreg:s8], $0x5FFFF  }
0xad: {  	[dreg:$0x1] =	wrdreg $0xFFFFFFFF  }
0xae: {  	[dreg:$0x0] =	wrdreg $0x60  }
0xaf: {  	[dreg:$0x2] =	wrdreg s24  }
0xb0: {  	[dreg:$0x3] =	wrdreg s2  }
0xb1: {  	[dreg:$0x4] =	wrdreg s18  }
0xb2: {  	[dreg:$0x5] =	wrdreg $0x9  }
0xb3: {  	_ =	task.clear_ibuf [dreg:s8], $0x6FFFF;
	_ =	strace $0x90000046  }
0xb4: {  	s29 =	simm.s32 $0x9;
	_ =	strace $0x80000048  }
0xb5: {  	_ =	swait.ge [sflag:s29], $0x1  }
0xb6: {  	[sflag:s29] =	ssyncadd.s32 $0xFFFFFFFF  }
0xb7: {  	_ =	strace $0x90000048  }
0xb8: {  	_ =	sfence  }
0xb9: {  	s30 =	sld [smem:$0x0];
	_ =	sdelay $0x2  }
0xba: {  	s31 =	sshll.u32 s1, $0xD;
	s1 =	sshrl.u32 s1, $0x2  }
0xbb: {  	s3 =	sand.u32 $0x4000, s31;
	s1 =	sadd.s32 s1, s30  }
0xbc: {  	s0 =	sor.u32 s3, s0;
	s1 =	sshll.u32 s1, $0x11  }
0xbd: {  	s0 =	sor.u32 s1, s0  }
0xbe: {  	s0 =	sadd.s32 $0x8F2B, s0  }
0xbf: {  	[sflag:s0] =	ssyncadd.remote.s32 $0x1  }
0xc0: {  	_ =	sfence.sel $0xFFFF  }
0xc1: {  	[dreg:$0x0] =	wrdreg $0xFFFFFFFF;
	(pc) =	sbr.abs _section_cstart, $3  }
0xc2: {  	[dreg:$0x1] =	wrdreg $0xFFFFFFFF  }
0xc3: {  	_ =	task.clear_ibuf [dreg:s8], $0x2FFFF;
	_ =	strace $0x9FFFFFFF  }
0xc4: {  	(tm) =	ssettm $0x7FFFFFFF  }
0xc5: {  	_ =	shalt  }
tec
execute0_lowered:
.L_overlay_start_1:
0x0: {  	(tag) =	ssettag $0x1  }
0x1: {  	s0 =	rddreg [dreg:$0x0];
	s1 =	srdreg.scid  }
0x2: {  	s2 =	rddreg [dreg:$0x1];
	s7 =	stileid.u32  }
0x3: {  	s3 =	rddreg [dreg:$0x2];
	s29 =	simm.s32 $0x6F00;
	s30 =	simm.s32 $0x7700  }
0x4: {  	s1 =	sand.u32 $0x1, s1;
	s4 =	sshrl.u32 s7, $0x2;
	s7 =	sand.u32 $0x3, s7  }
0x5: {  	s31 =	simm.s32 $0x7F00;
	s5 =	sshll.u32 s1, $0x2;
	s8 =	sshll.u32 s7, $0x3  }
0x6: {  	s1 =	ssub.s32 $0x2, s1;
	s7 =	smul.u32 $0x13880, s7;
	s6 =	sor.u32 s4, s5  }
0x7: {  	s4 =	simm.s32 $0x0;
	s21 =	sshrl.u32 s1, $0x1;
	s5 =	smul.u32 $0x4E2, s6  }
0x8: {  	[smem:$0x7FF] =	sst s4;
	s8 =	sor.u32 s6, s8;
	s6 =	smul.u32 $0x4E200, s6  }
0x9: {  	s1 =	ssub.s32 s1, s21;
	s23 =	sshrl.u32 s7, $0x3;
	s25 =	sadd.s32 $0x7D0, s7  }
0xa: {  	s17 =	sadd.s32 $0xFA0, s7;
	s18 =	sadd.s32 $0x1770, s7;
	s21 =	simm.s32 $0x2780  }
0xb: {  	_ =	strace $0x80000047;
	s8 =	smul.u32 $0x4E2, s8;
	s26 =	sshrl.u32 s25, $0x3  }
0xc: {  	s20 =	smax.u32 s1, $0x1;
	s1 =	simm.s32 $0x8700;
	s9 =	sadd.s32 s5, s0  }
0xd: {  	s5 =	sadd.s32 $0x6C00, s0;
	s24 =	sadd.s32 s7, s6;
	s0 =	sadd.s32 s8, s0  }
0xe: {  	s22 =	sadd.s32 $0x1C00, s9;
	s9 =	sadd.s32 $0x4400, s9;
	s8 =	sshrl.u32 s24, $0x3  }
0xf: {  	s13 =	sadd.s32 s5, s26;
	s24 =	simm.s32 $0x3;
	[dreg:$0x4] =	wrdreg s22  }
0x10: {  	[dreg:$0x5] =	wrdreg s9;
	s9 =	sadd.s32 s5, s23;
	s11 =	sadd.s32 s2, s8  }
.Ltmp0:
0x11: {  	s12 =	sadd.s32 s3, s8;
	s19 =	sadd.s32 $0x1A600, s0;
	(pc) =	sbr.rel .LBB2_1-.Ltmp0, $4  }
0x12: {  	s22 =	simm.s32 $0x1;
	s23 =	simm.s32 $0x2;
	s10 =	sadd.s32 $0x9C40, s9  }
0x13: {  	s0 =	simm.s32 $0x8F00;
	[dreg:$0x6] =	wrdreg s10;
	s10 =	sadd.s32 s25, s6  }
0x14: {  	[dreg:$0x7] =	wrdreg s11;
	s14 =	sadd.s32 $0x9D3A, s9;
	s28 =	sshrl.u32 s10, $0x3  }
0x15: {  	v0 =	vimm.f32 $0.0e+00;
	s25 =	simm.s32 $0x0;
	s15 =	sadd.s32 s2, s28;
	s16 =	sadd.s32 s3, s28  }
.LBB2_10:
0x16: {  	s25 =	sadd.s32 $0x1, s25  }
0x17: {  	p0 =	sne.s32 s25, s20  }
.Ltmp1:
0x18: {  	_ = 	snop;
	(pc) =	sbr.rel @!p0 .LBB2_11-.Ltmp1, $4  }
0x19: {  	[hbm4b:s19+s4] =	stream.linear.scatter [tilespmem:s0], [sflag:$0x3], $0x2710, $0x38;
	[tilespmem:$0xB680] =	vst v63  }
0x1a: {  	_ =	swait.ge [sflag:s24], $0x2710  }
0x1b: {  	[sflag:s24] =	ssyncset.done $0x0  }
0x1c: {  	[sflag:s24] =	ssyncadd.s32 $0xFFFFD8F0  }
.LBB2_1:
0x1d: {  	s7 =	rddreg [dreg:$0x4]  }
0x1e: {  	[tilespmem:s4], [sflag:$0x1] =	stream.linear.gather [hbm4b:s7+s4], $0x2710, $0x38;
	[tilespmem:$0xB680] =	vst v63  }
0x1f: {  	s28 =	rddreg [dreg:$0x5];
	s7 =	simm.s32 $0x8F20  }
0x20: {  	[tilespmem:s21], [sflag:$0x2] =	stream.linear.gather [hbm4b:s28+s4], $0x2710, $0x38;
	[tilespmem:$0xB680] =	vst v63  }
0x21: {  	[tilespmem:s7+$0xFFFFFFE0] =	vst v0  }
0x22: {  	[tilespmem:s7+$0x10] =	vst v0  }
0x23: {  	s8 =	simm.s32 $0x0;
	[tilespmem:s7+$0x0] =	vst v0  }
.LBB2_2:
0x24: {  	s8 =	sadd.s32 $0x4, s8  }
0x25: {  	[tilespmem:s7+$0xFFFFFFF0] =	vst v0;
	s7 =	sadd.s32 $0x40, s7;
	p0 =	slt.u32 s8, $0x26C  }
.Ltmp2:
0x26: {  	[tilespmem:s7+$0xFFFFFFE0] =	vst v0;
	(pc) =	sbr.rel @p0 .LBB2_2-.Ltmp2, $3  }
0x27: {  	_ =	sdelay $0x1  }
0x28: {  	[tilespmem:s7+$0x10] =	vst v0  }
0x29: {  	[tilespmem:s7+$0x0] =	vst v0  }
0x2a: {  	[tilespmem:s7+$0xFFFFFFF0] =	vst v0  }
0x2b: {  	[tilespmem:$0xB600] =	vst v0  }
0x2c: {  	_ =	swait.ge [sflag:s22], $0x2710  }
0x2d: {  	[sflag:s22] =	ssyncset.done $0x0  }
0x2e: {  	[sflag:s22] =	ssyncadd.s32 $0xFFFFD8F0  }
0x2f: {  	_ =	swait.ge [sflag:s23], $0x2710  }
0x30: {  	[sflag:s23] =	ssyncset.done $0x0  }
0x31: {  	s26 =	simm.s32 $0x0;
	s11 =	simm.s32 $0x4F00;
	[sflag:s23] =	ssyncadd.s32 $0xFFFFD8F0  }
0x32: {  	[tilespmem:s11], [sflag:$0x1] =	stream.linear.gather [hbm4b:s9+s26], $0x7D0, $0x38;
	[tilespmem:$0xB680] =	vst v63  }
0x33: {  	s8 =	simm.s32 $0x5700;
	s28 =	rddreg [dreg:$0x6]  }
0x34: {  	[tilespmem:s8], [sflag:$0x1] =	stream.linear.gather [hbm4b:s28+s26], $0x7D0, $0x38;
	[tilespmem:$0xB680] =	vst v63  }
0x35: {  	s10 =	rddreg [dreg:$0x7];
	s11 =	simm.s32 $0x5F00  }
0x36: {  	[tilespmem:s11], [sflag:$0x1] =	stream.linear.gather [hbm4b:s10+s26], $0x7D0, $0x38;
	[tilespmem:$0xB680] =	vst v63  }
0x37: {  	s28 =	simm.s32 $0x6700  }
0x38: {  	[tilespmem:s28], [sflag:$0x1] =	stream.linear.gather [hbm4b:s12+s26], $0x7D0, $0x38;
	[tilespmem:$0xB680] =	vst v63  }
0x39: {  	_ = 	snop  }
0x3a: {  	[tilespmem:s29], [sflag:$0x2] =	stream.linear.gather [hbm4b:s13+s26], $0x7D0, $0x38;
	[tilespmem:$0xB680] =	vst v63  }
0x3b: {  	_ = 	snop  }
0x3c: {  	[tilespmem:s30], [sflag:$0x2] =	stream.linear.gather [hbm4b:s14+s26], $0x7D0, $0x38;
	[tilespmem:$0xB680] =	vst v63  }
0x3d: {  	_ = 	snop  }
0x3e: {  	[tilespmem:s31], [sflag:$0x2] =	stream.linear.gather [hbm4b:s15+s26], $0x7D0, $0x38;
	[tilespmem:$0xB680] =	vst v63  }
0x3f: {  	_ = 	snop  }
0x40: {  	[tilespmem:s1], [sflag:$0x2] =	stream.linear.gather [hbm4b:s16+s26], $0x7D0, $0x38;
	[tilespmem:$0xB680] =	vst v63  }
.LBB2_4:
0x41: {  	_ =	swait.ge [sflag:s22], $0x7D0  }
0x42: {  	[sflag:s22] =	ssyncset.done $0x0  }
0x43: {  	[sflag:s22] =	ssyncadd.s32 $0xFFFFF830  }
0x44: {  	_ =	swait.ge [sflag:s22], $0x7D0  }
0x45: {  	[sflag:s22] =	ssyncset.done $0x0  }
0x46: {  	[sflag:s22] =	ssyncadd.s32 $0xFFFFF830  }
0x47: {  	_ =	swait.ge [sflag:s22], $0x7D0  }
0x48: {  	[sflag:s22] =	ssyncset.done $0x0  }
0x49: {  	[sflag:s22] =	ssyncadd.s32 $0xFFFFF830  }
0x4a: {  	_ =	swait.ge [sflag:s22], $0x7D0  }
0x4b: {  	[sflag:s22] =	ssyncset.done $0x0  }
0x4c: {  	s8 =	simm.s32 $0x6720;
	[sflag:s22] =	ssyncadd.s32 $0xFFFFF830  }
0x4d: {  	v1 =	vld [tilespmem:s8+$0xFFFFFFE0]  }
0x4e: {  	v20 =	vld [tilespmem:s8+$0x0]  }
0x4f: {  	s28 =	simm.s32 $0x5F20;
	v10 =	vld [tilespmem:s8+$0x10]  }
0x50: {  	s7 =	simm.s32 $0x5720;
	v11 =	vld [tilespmem:s28+$0x10]  }
0x51: {  	s10 =	simm.s32 $0x4F20;
	v22 =	vld [tilespmem:s7+$0x10]  }
0x52: {  	v12 =	vld [tilespmem:s10+$0x10]  }
0x53: {  	v4 =	vld [tilespmem:s7+$0x0]  }
0x54: {  	v7 =	vld [tilespmem:s10+$0x0]  }
0x55: {  	v2 =	vld [tilespmem:s7+$0xFFFFFFF0]  }
0x56: {  	v5 =	vld [tilespmem:s10+$0xFFFFFFF0]  }
0x57: {  	v3 =	vld [tilespmem:s7+$0xFFFFFFE0]  }
0x58: {  	v6 =	vld [tilespmem:s10+$0xFFFFFFE0]  }
0x59: {  	v27 =	vld [tilespmem:s28+$0x0]  }
0x5a: {  	v13 =	vld.idx.msk [tilespmem:v22+s4+$0x0], $0xffff  }
0x5b: {  	v14 =	vld.idx.msk [tilespmem:v22+s21+$0x0], $0xffff  }
0x5c: {  	v15 =	vld.idx.msk [tilespmem:v12+s4+$0x0], $0xffff  }
0x5d: {  	v16 =	vld.idx.msk [tilespmem:v12+s21+$0x0], $0xffff  }
0x5e: {  	v17 =	vld.idx.msk [tilespmem:v4+s21+$0x0], $0xffff  }
0x5f: {  	v18 =	vld.idx.msk [tilespmem:v4+s4+$0x0], $0xffff  }
0x60: {  	v19 =	vld.idx.msk [tilespmem:v7+s4+$0x0], $0xffff  }
0x61: {  	v9 =	vld.idx.msk [tilespmem:v6+s4+$0x0], $0xffff  }
0x62: {  	v23 =	vld.idx.msk [tilespmem:v7+s21+$0x0], $0xffff;
	v21 =	vmul.f32 v13, v15  }
0x63: {  	v24 =	vld.idx.msk [tilespmem:v2+s4+$0x0], $0xffff;
	v15 =	vmul.f32 v14, v15;
	v14 =	vmul.f32 v14, v16  }
0x64: {  	v25 =	vld.idx.msk [tilespmem:v2+s21+$0x0], $0xffff;
	v13 =	vmul.f32 v16, v13  }
0x65: {  	v26 =	vld.idx.msk [tilespmem:v5+s21+$0x0], $0xffff;
	v14 =	vadd.f32 v14, v21  }
0x66: {  	v13 =	vsub.f32 v13, v15;
	v15 =	vld.idx.msk [tilespmem:v5+s4+$0x0], $0xffff  }
0x67: {  	v16 =	vmul.f32 v18, v19;
	v21 =	vld.idx.msk [tilespmem:v3+s4+$0x0], $0xffff;
	v14 =	vmul.f32 v14, v11  }
0x68: {  	v8 =	vld.idx.msk [tilespmem:v6+s21+$0x0], $0xffff;
	v10 =	vmul.f32 v13, v10;
	v13 =	vmul.f32 v17, v23  }
0x69: {  	v19 =	vmul.f32 v17, v19;
	v17 =	vmul.f32 v23, v18;
	v11 =	vld.idx.msk [tilespmem:v3+s21+$0x0], $0xffff  }
0x6a: {  	v18 =	vadd.f32 v10, v14;
	v10 =	vld [tilespmem:s28+$0xFFFFFFE0];
	v23 =	vadd.f32 v13, v16  }
0x6b: {  	v28 =	vsub.f32 v17, v19;
	v16 =	vld [tilespmem:s28+$0xFFFFFFF0];
	v19 =	vmul.f32 v26, v24;
	v17 =	vmul.f32 v24, v15  }
0x6c: {  	v15 =	vmul.f32 v25, v15;
	v13 =	vmul.f32 v21, v9;
	[tilespmem:v12+s0+$0x0] =	vst.idx.add.f32.msk $0xffff, v18;
	v29 =	vsub.f32 $0.0e+00, v18  }
0x6d: {  	v14 =	vmul.f32 v8, v21;
	v21 =	vmul.f32 v25, v26;
	v12 =	vld [tilespmem:s8+$0xFFFFFFF0]  }
0x6e: {  	s11 =	simm.s32 $0x4F60;
	s10 =	simm.s32 $0x6760;
	v18 =	vmul.f32 v23, v27;
	s8 =	simm.s32 $0x0;
	v20 =	vmul.f32 v28, v20;
	[tilespmem:v22+s0+$0x0] =	vst.idx.add.f32.msk $0xffff, v29  }
.LBB2_5:
0x6f: {  	v22 =	vld [tilespmem:s10+$0xFFFFFFE0];
	s8 =	sadd.s32 $0x4, s8;
	v8 =	vmul.f32 v11, v8;
	v9 =	vmul.f32 v11, v9;
	v11 =	vadd.f32 v21, v17;
	s28 =	sadd.s32 $0x40, s28;
	s7 =	sadd.s32 $0x40, s7  }
0x70: {  	v23 =	vld [tilespmem:s10+$0x0];
	p0 =	slt.u32 s8, $0x78;
	v15 =	vsub.f32 v19, v15;
	v17 =	vadd.f32 v20, v18  }
0x71: {  	v18 =	vld [tilespmem:s10+$0x10];
	v8 =	vadd.f32 v8, v13;
	v9 =	vsub.f32 v14, v9  }
0x72: {  	v11 =	vmul.f32 v11, v16;
	v12 =	vmul.f32 v15, v12;
	[tilespmem:v7+s0+$0x0] =	vst.idx.add.f32.msk $0xffff, v17;
	v7 =	vsub.f32 $0.0e+00, v17  }
0x73: {  	v13 =	vld [tilespmem:s28+$0x10];
	v8 =	vmul.f32 v8, v10;
	v9 =	vmul.f32 v9, v1  }
0x74: {  	v10 =	vadd.f32 v12, v11;
	[tilespmem:v4+s0+$0x0] =	vst.idx.add.f32.msk $0xffff, v7;
	v1 =	vmov v22  }
0x75: {  	v22 =	vld [tilespmem:s7+$0x10];
	v4 =	vadd.f32 v9, v8  }
0x76: {  	[tilespmem:v5+s0+$0x0] =	vst.idx.add.f32.msk $0xffff, v10;
	v5 =	vsub.f32 $0.0e+00, v10  }
0x77: {  	[tilespmem:v6+s0+$0x0] =	vst.idx.add.f32.msk $0xffff, v4;
	v4 =	vsub.f32 $0.0e+00, v4  }
0x78: {  	[tilespmem:v2+s0+$0x0] =	vst.idx.add.f32.msk $0xffff, v5  }
0x79: {  	[tilespmem:v3+s0+$0x0] =	vst.idx.add.f32.msk $0xffff, v4  }
0x7a: {  	v12 =	vld [tilespmem:s11+$0x10]  }
0x7b: {  	v4 =	vld [tilespmem:s7+$0x0]  }
0x7c: {  	v7 =	vld [tilespmem:s11+$0x0]  }
0x7d: {  	v2 =	vld [tilespmem:s7+$0xFFFFFFF0]  }
0x7e: {  	v5 =	vld [tilespmem:s11+$0xFFFFFFF0]  }
0x7f: {  	v3 =	vld [tilespmem:s7+$0xFFFFFFE0]  }
0x80: {  	v6 =	vld [tilespmem:s11+$0xFFFFFFE0]  }
0x81: {  	v10 =	vld.idx.msk [tilespmem:v22+s4+$0x0], $0xffff  }
0x82: {  	v11 =	vld.idx.msk [tilespmem:v22+s21+$0x0], $0xffff  }
0x83: {  	v14 =	vld.idx.msk [tilespmem:v12+s4+$0x0], $0xffff  }
0x84: {  	v15 =	vld.idx.msk [tilespmem:v12+s21+$0x0], $0xffff  }
0x85: {  	v16 =	vld.idx.msk [tilespmem:v4+s21+$0x0], $0xffff  }
0x86: {  	v17 =	vld.idx.msk [tilespmem:v4+s4+$0x0], $0xffff  }
0x87: {  	v19 =	vld.idx.msk [tilespmem:v7+s4+$0x0], $0xffff  }
0x88: {  	v8 =	vld.idx.msk [tilespmem:v6+s21+$0x0], $0xffff  }
0x89: {  	v20 =	vmul.f32 v10, v14;
	v14 =	vmul.f32 v11, v14;
	v9 =	vld.idx.msk [tilespmem:v6+s4+$0x0], $0xffff  }
0x8a: {  	v11 =	vmul.f32 v11, v15;
	v10 =	vmul.f32 v15, v10;
	v21 =	vld.idx.msk [tilespmem:v7+s21+$0x0], $0xffff  }
0x8b: {  	v24 =	vld.idx.msk [tilespmem:v2+s4+$0x0], $0xffff  }
0x8c: {  	v11 =	vadd.f32 v11, v20;
	v10 =	vsub.f32 v10, v14;
	v25 =	vld.idx.msk [tilespmem:v2+s21+$0x0], $0xffff  }
0x8d: {  	v15 =	vmul.f32 v17, v19;
	v19 =	vmul.f32 v16, v19;
	v14 =	vld.idx.msk [tilespmem:v5+s4+$0x0], $0xffff  }
0x8e: {  	v20 =	vld.idx.msk [tilespmem:v3+s4+$0x0], $0xffff  }
0x8f: {  	v13 =	vmul.f32 v11, v13;
	v10 =	vmul.f32 v10, v18;
	v26 =	vld.idx.msk [tilespmem:v5+s21+$0x0], $0xffff  }
0x90: {  	v16 =	vmul.f32 v16, v21;
	v17 =	vmul.f32 v21, v17;
	v18 =	vld [tilespmem:s28+$0x0]  }
0x91: {  	v21 =	vadd.f32 v10, v13;
	v11 =	vld.idx.msk [tilespmem:v3+s21+$0x0], $0xffff  }
.Ltmp3:
0x92: {  	v27 =	vadd.f32 v16, v15;
	v28 =	vsub.f32 v17, v19;
	v10 =	vld [tilespmem:s28+$0xFFFFFFE0];
	(pc) =	sbr.rel @p0 .LBB2_5-.Ltmp3, $4  }
0x93: {  	v17 =	vmul.f32 v24, v14;
	v15 =	vmul.f32 v25, v14;
	[tilespmem:v12+s0+$0x0] =	vst.idx.add.f32.msk $0xffff, v21  }
0x94: {  	v29 =	vsub.f32 $0.0e+00, v21;
	v13 =	vmul.f32 v20, v9;
	v14 =	vmul.f32 v8, v20;
	v12 =	vld [tilespmem:s10+$0xFFFFFFF0]  }
0x95: {  	v21 =	vmul.f32 v25, v26;
	v16 =	vld [tilespmem:s28+$0xFFFFFFF0];
	v18 =	vmul.f32 v27, v18  }
0x96: {  	s11 =	sadd.s32 $0x40, s11;
	v20 =	vmul.f32 v28, v23;
	v19 =	vmul.f32 v26, v24;
	s10 =	sadd.s32 $0x40, s10;
	[tilespmem:v22+s0+$0x0] =	vst.idx.add.f32.msk $0xffff, v29  }
0x97: {  	v8 =	vmul.f32 v11, v8;
	v9 =	vmul.f32 v11, v9;
	v11 =	vadd.f32 v21, v17  }
0x98: {  	v15 =	vsub.f32 v19, v15;
	v17 =	vadd.f32 v20, v18  }
0x99: {  	v8 =	vadd.f32 v8, v13;
	v9 =	vsub.f32 v14, v9  }
0x9a: {  	v11 =	vmul.f32 v11, v16;
	v12 =	vmul.f32 v15, v12  }
0x9b: {  	v13 =	vsub.f32 $0.0e+00, v17;
	v8 =	vmul.f32 v8, v10;
	v1 =	vmul.f32 v9, v1  }
0x9c: {  	[tilespmem:v7+s0+$0x0] =	vst.idx.add.f32.msk $0xffff, v17;
	v7 =	vadd.f32 v12, v11  }
0x9d: {  	[tilespmem:v4+s0+$0x0] =	vst.idx.add.f32.msk $0xffff, v13;
	v1 =	vadd.f32 v1, v8  }
0x9e: {  	[tilespmem:v5+s0+$0x0] =	vst.idx.add.f32.msk $0xffff, v7;
	v4 =	vsub.f32 $0.0e+00, v7  }
0x9f: {  	[tilespmem:v6+s0+$0x0] =	vst.idx.add.f32.msk $0xffff, v1;
	v1 =	vsub.f32 $0.0e+00, v1  }
0xa0: {  	[tilespmem:v2+s0+$0x0] =	vst.idx.add.f32.msk $0xffff, v4  }
0xa1: {  	[tilespmem:v3+s0+$0x0] =	vst.idx.add.f32.msk $0xffff, v1  }
0xa2: {  	v1 =	vld [tilespmem:$0x56C0]  }
0xa3: {  	v2 =	vld [tilespmem:$0x5EC0];
	_ =	sdelay $0x6  }
0xa4: {  	v3 =	vld.idx.msk [tilespmem:v1+s4+$0x0], $0xffff  }
0xa5: {  	v4 =	vld.idx.msk [tilespmem:v2+s4+$0x0], $0xffff  }
0xa6: {  	v5 =	vld.idx.msk [tilespmem:v1+s21+$0x0], $0xffff  }
0xa7: {  	v6 =	vld.idx.msk [tilespmem:v2+s21+$0x0], $0xffff;
	_ =	sdelay $0x3  }
0xa8: {  	v7 =	vld [tilespmem:$0x66C0]  }
0xa9: {  	v8 =	vld [tilespmem:$0x6EC0];
	v9 =	vmul.f32 v4, v3;
	v10 =	vmul.f32 v6, v5  }
0xaa: {  	v4 =	vmul.f32 v5, v4;
	v3 =	vmul.f32 v6, v3;
	_ =	sdelay $0x1  }
0xab: {  	v5 =	vadd.f32 v10, v9;
	v3 =	vsub.f32 v4, v3;
	_ =	sdelay $0x1  }
0xac: {  	v4 =	vmul.f32 v5, v7;
	v3 =	vmul.f32 v3, v8  }
0xad: {  	p0 =	seq.s32 s26, $0x13  }
0xae: {  	s7 =	smul.u32 @!p0 $0xFA0, s26;
	v3 =	vadd.f32 v3, v4;
	_ =	sdelay $0x1  }
0xaf: {  	s7 =	sadd.s32 @!p0 s7, s17;
	v4 =	vsub.f32 $0.0e+00, v3  }
0xb0: {  	s10 =	simm.s32 @!p0 $0x0;
	s8 =	sshrl.u32 @!p0 s7, $0x3;
	[tilespmem:v1+s0+$0x0] =	vst.idx.add.f32.msk $0xffff, v3  }
0xb1: {  	s11 =	simm.s32 @!p0 $0x4F00;
	s7 =	sadd.s32 @!p0 s6, s7;
	s8 =	sadd.s32 @!p0 s5, s8;
	[tilespmem:v2+s0+$0x0] =	vst.idx.add.f32.msk $0xffff, v4  }
0xb2: {  	[tilespmem:s11], [sflag:$0x1] =	stream.linear.gather @!p0 [hbm4b:s8+s10], $0x7D0, $0x38;
	[tilespmem:$0xB680] =	vst v63  }
0xb3: {  	s7 =	sshrl.u32 @!p0 s7, $0x3;
	s8 =	sadd.s32 @!p0 $0x9C40, s8;
	s11 =	simm.s32 @!p0 $0x5700  }
0xb4: {  	[tilespmem:s11], [sflag:$0x1] =	stream.linear.gather @!p0 [hbm4b:s8+s10], $0x7D0, $0x38;
	[tilespmem:$0xB680] =	vst v63  }
0xb5: {  	s8 =	sadd.s32 @!p0 s2, s7;
	s11 =	simm.s32 @!p0 $0x5F00  }
0xb6: {  	[tilespmem:s11], [sflag:$0x1] =	stream.linear.gather @!p0 [hbm4b:s8+s10], $0x7D0, $0x38;
	[tilespmem:$0xB680] =	vst v63  }
0xb7: {  	s7 =	sadd.s32 @!p0 s3, s7;
	s8 =	simm.s32 @!p0 $0x6700  }
0xb8: {  	[tilespmem:s8], [sflag:$0x1] =	stream.linear.gather @!p0 [hbm4b:s7+s10], $0x7D0, $0x38;
	[tilespmem:$0xB680] =	vst v63  }
0xb9: {  	_ =	swait.ge [sflag:s23], $0x7D0  }
0xba: {  	[sflag:s23] =	ssyncset.done $0x0  }
0xbb: {  	[sflag:s23] =	ssyncadd.s32 $0xFFFFF830  }
0xbc: {  	_ =	swait.ge [sflag:s23], $0x7D0  }
0xbd: {  	[sflag:s23] =	ssyncset.done $0x0  }
0xbe: {  	[sflag:s23] =	ssyncadd.s32 $0xFFFFF830  }
0xbf: {  	_ =	swait.ge [sflag:s23], $0x7D0  }
0xc0: {  	[sflag:s23] =	ssyncset.done $0x0  }
0xc1: {  	[sflag:s23] =	ssyncadd.s32 $0xFFFFF830  }
0xc2: {  	_ =	swait.ge [sflag:s23], $0x7D0  }
0xc3: {  	[sflag:s23] =	ssyncset.done $0x0  }
0xc4: {  	s8 =	simm.s32 $0x8720;
	[sflag:s23] =	ssyncadd.s32 $0xFFFFF830  }
0xc5: {  	v1 =	vld [tilespmem:s8+$0xFFFFFFE0]  }
0xc6: {  	v20 =	vld [tilespmem:s8+$0x0]  }
0xc7: {  	s28 =	simm.s32 $0x7F20;
	v10 =	vld [tilespmem:s8+$0x10]  }
0xc8: {  	s7 =	simm.s32 $0x7720;
	v11 =	vld [tilespmem:s28+$0x10]  }
0xc9: {  	s11 =	simm.s32 $0x6F20;
	v22 =	vld [tilespmem:s7+$0x10]  }
0xca: {  	v12 =	vld [tilespmem:s11+$0x10]  }
0xcb: {  	v4 =	vld [tilespmem:s7+$0x0]  }
0xcc: {  	v7 =	vld [tilespmem:s11+$0x0]  }
0xcd: {  	v2 =	vld [tilespmem:s7+$0xFFFFFFF0]  }
0xce: {  	v5 =	vld [tilespmem:s11+$0xFFFFFFF0]  }
0xcf: {  	v3 =	vld [tilespmem:s7+$0xFFFFFFE0]  }
0xd0: {  	v6 =	vld [tilespmem:s11+$0xFFFFFFE0]  }
0xd1: {  	v27 =	vld [tilespmem:s28+$0x0]  }
0xd2: {  	v13 =	vld.idx.msk [tilespmem:v22+s4+$0x0], $0xffff  }
0xd3: {  	v14 =	vld.idx.msk [tilespmem:v22+s21+$0x0], $0xffff  }
0xd4: {  	v15 =	vld.idx.msk [tilespmem:v12+s4+$0x0], $0xffff  }
0xd5: {  	v16 =	vld.idx.msk [tilespmem:v12+s21+$0x0], $0xffff  }
0xd6: {  	v17 =	vld.idx.msk [tilespmem:v4+s21+$0x0], $0xffff  }
0xd7: {  	v18 =	vld.idx.msk [tilespmem:v4+s4+$0x0], $0xffff  }
0xd8: {  	v19 =	vld.idx.msk [tilespmem:v7+s4+$0x0], $0xffff  }
0xd9: {  	v9 =	vld.idx.msk [tilespmem:v6+s4+$0x0], $0xffff  }
0xda: {  	v23 =	vld.idx.msk [tilespmem:v7+s21+$0x0], $0xffff;
	v21 =	vmul.f32 v13, v15  }
0xdb: {  	v24 =	vld.idx.msk [tilespmem:v2+s4+$0x0], $0xffff;
	v15 =	vmul.f32 v14, v15;
	v14 =	vmul.f32 v14, v16  }
0xdc: {  	v25 =	vld.idx.msk [tilespmem:v2+s21+$0x0], $0xffff;
	v13 =	vmul.f32 v16, v13  }
0xdd: {  	v26 =	vld.idx.msk [tilespmem:v5+s21+$0x0], $0xffff;
	v14 =	vadd.f32 v14, v21  }
0xde: {  	v13 =	vsub.f32 v13, v15;
	v15 =	vld.idx.msk [tilespmem:v5+s4+$0x0], $0xffff  }
0xdf: {  	v16 =	vmul.f32 v18, v19;
	v21 =	vld.idx.msk [tilespmem:v3+s4+$0x0], $0xffff;
	v14 =	vmul.f32 v14, v11  }
0xe0: {  	v8 =	vld.idx.msk [tilespmem:v6+s21+$0x0], $0xffff;
	v10 =	vmul.f32 v13, v10;
	v13 =	vmul.f32 v17, v23  }
0xe1: {  	v19 =	vmul.f32 v17, v19;
	v17 =	vmul.f32 v23, v18;
	v11 =	vld.idx.msk [tilespmem:v3+s21+$0x0], $0xffff  }
0xe2: {  	v18 =	vadd.f32 v10, v14;
	v10 =	vld [tilespmem:s28+$0xFFFFFFE0];
	v23 =	vadd.f32 v13, v16  }
0xe3: {  	v28 =	vsub.f32 v17, v19;
	v16 =	vld [tilespmem:s28+$0xFFFFFFF0];
	v19 =	vmul.f32 v26, v24;
	v17 =	vmul.f32 v24, v15  }
0xe4: {  	v15 =	vmul.f32 v25, v15;
	v13 =	vmul.f32 v21, v9;
	[tilespmem:v12+s0+$0x0] =	vst.idx.add.f32.msk $0xffff, v18;
	v29 =	vsub.f32 $0.0e+00, v18  }
0xe5: {  	v14 =	vmul.f32 v8, v21;
	v21 =	vmul.f32 v25, v26;
	v12 =	vld [tilespmem:s8+$0xFFFFFFF0]  }
0xe6: {  	s10 =	simm.s32 $0x8760;
	s11 =	simm.s32 $0x6F60;
	v18 =	vmul.f32 v23, v27;
	s8 =	simm.s32 $0x0;
	v20 =	vmul.f32 v28, v20;
	[tilespmem:v22+s0+$0x0] =	vst.idx.add.f32.msk $0xffff, v29  }
.LBB2_7:
0xe7: {  	v22 =	vld [tilespmem:s10+$0xFFFFFFE0];
	s8 =	sadd.s32 $0x4, s8;
	v8 =	vmul.f32 v11, v8;
	v9 =	vmul.f32 v11, v9;
	v11 =	vadd.f32 v21, v17;
	s28 =	sadd.s32 $0x40, s28;
	s7 =	sadd.s32 $0x40, s7  }
0xe8: {  	v23 =	vld [tilespmem:s10+$0x0];
	p1 =	slt.u32 s8, $0x78;
	v15 =	vsub.f32 v19, v15;
	v17 =	vadd.f32 v20, v18  }
0xe9: {  	v18 =	vld [tilespmem:s10+$0x10];
	v8 =	vadd.f32 v8, v13;
	v9 =	vsub.f32 v14, v9  }
0xea: {  	v11 =	vmul.f32 v11, v16;
	v12 =	vmul.f32 v15, v12;
	[tilespmem:v7+s0+$0x0] =	vst.idx.add.f32.msk $0xffff, v17;
	v7 =	vsub.f32 $0.0e+00, v17  }
0xeb: {  	v13 =	vld [tilespmem:s28+$0x10];
	v8 =	vmul.f32 v8, v10;
	v9 =	vmul.f32 v9, v1  }
0xec: {  	v10 =	vadd.f32 v12, v11;
	[tilespmem:v4+s0+$0x0] =	vst.idx.add.f32.msk $0xffff, v7;
	v1 =	vmov v22  }
0xed: {  	v22 =	vld [tilespmem:s7+$0x10];
	v4 =	vadd.f32 v9, v8  }
0xee: {  	[tilespmem:v5+s0+$0x0] =	vst.idx.add.f32.msk $0xffff, v10;
	v5 =	vsub.f32 $0.0e+00, v10  }
0xef: {  	[tilespmem:v6+s0+$0x0] =	vst.idx.add.f32.msk $0xffff, v4;
	v4 =	vsub.f32 $0.0e+00, v4  }
0xf0: {  	[tilespmem:v2+s0+$0x0] =	vst.idx.add.f32.msk $0xffff, v5  }
0xf1: {  	[tilespmem:v3+s0+$0x0] =	vst.idx.add.f32.msk $0xffff, v4  }
0xf2: {  	v12 =	vld [tilespmem:s11+$0x10]  }
0xf3: {  	v4 =	vld [tilespmem:s7+$0x0]  }
0xf4: {  	v7 =	vld [tilespmem:s11+$0x0]  }
0xf5: {  	v2 =	vld [tilespmem:s7+$0xFFFFFFF0]  }
0xf6: {  	v5 =	vld [tilespmem:s11+$0xFFFFFFF0]  }
0xf7: {  	v3 =	vld [tilespmem:s7+$0xFFFFFFE0]  }
0xf8: {  	v6 =	vld [tilespmem:s11+$0xFFFFFFE0]  }
0xf9: {  	v10 =	vld.idx.msk [tilespmem:v22+s4+$0x0], $0xffff  }
0xfa: {  	v11 =	vld.idx.msk [tilespmem:v22+s21+$0x0], $0xffff  }
0xfb: {  	v14 =	vld.idx.msk [tilespmem:v12+s4+$0x0], $0xffff  }
0xfc: {  	v15 =	vld.idx.msk [tilespmem:v12+s21+$0x0], $0xffff  }
0xfd: {  	v16 =	vld.idx.msk [tilespmem:v4+s21+$0x0], $0xffff  }
0xfe: {  	v17 =	vld.idx.msk [tilespmem:v4+s4+$0x0], $0xffff  }
0xff: {  	v19 =	vld.idx.msk [tilespmem:v7+s4+$0x0], $0xffff  }
0x100: {  	v8 =	vld.idx.msk [tilespmem:v6+s21+$0x0], $0xffff  }
0x101: {  	v20 =	vmul.f32 v10, v14;
	v14 =	vmul.f32 v11, v14;
	v9 =	vld.idx.msk [tilespmem:v6+s4+$0x0], $0xffff  }
0x102: {  	v11 =	vmul.f32 v11, v15;
	v10 =	vmul.f32 v15, v10;
	v21 =	vld.idx.msk [tilespmem:v7+s21+$0x0], $0xffff  }
0x103: {  	v24 =	vld.idx.msk [tilespmem:v2+s4+$0x0], $0xffff  }
0x104: {  	v11 =	vadd.f32 v11, v20;
	v10 =	vsub.f32 v10, v14;
	v25 =	vld.idx.msk [tilespmem:v2+s21+$0x0], $0xffff  }
0x105: {  	v15 =	vmul.f32 v17, v19;
	v19 =	vmul.f32 v16, v19;
	v14 =	vld.idx.msk [tilespmem:v5+s4+$0x0], $0xffff  }
0x106: {  	v20 =	vld.idx.msk [tilespmem:v3+s4+$0x0], $0xffff  }
0x107: {  	v13 =	vmul.f32 v11, v13;
	v10 =	vmul.f32 v10, v18;
	v26 =	vld.idx.msk [tilespmem:v5+s21+$0x0], $0xffff  }
0x108: {  	v16 =	vmul.f32 v16, v21;
	v17 =	vmul.f32 v21, v17;
	v18 =	vld [tilespmem:s28+$0x0]  }
0x109: {  	v21 =	vadd.f32 v10, v13;
	v11 =	vld.idx.msk [tilespmem:v3+s21+$0x0], $0xffff  }
.Ltmp4:
0x10a: {  	v27 =	vadd.f32 v16, v15;
	v28 =	vsub.f32 v17, v19;
	v10 =	vld [tilespmem:s28+$0xFFFFFFE0];
	(pc) =	sbr.rel @p1 .LBB2_7-.Ltmp4, $4  }
0x10b: {  	v17 =	vmul.f32 v24, v14;
	v15 =	vmul.f32 v25, v14;
	[tilespmem:v12+s0+$0x0] =	vst.idx.add.f32.msk $0xffff, v21  }
0x10c: {  	v29 =	vsub.f32 $0.0e+00, v21;
	v13 =	vmul.f32 v20, v9;
	v14 =	vmul.f32 v8, v20;
	v12 =	vld [tilespmem:s10+$0xFFFFFFF0]  }
0x10d: {  	v21 =	vmul.f32 v25, v26;
	v16 =	vld [tilespmem:s28+$0xFFFFFFF0];
	v18 =	vmul.f32 v27, v18  }
0x10e: {  	s11 =	sadd.s32 $0x40, s11;
	v20 =	vmul.f32 v28, v23;
	v19 =	vmul.f32 v26, v24;
	s10 =	sadd.s32 $0x40, s10;
	[tilespmem:v22+s0+$0x0] =	vst.idx.add.f32.msk $0xffff, v29  }
0x10f: {  	v8 =	vmul.f32 v11, v8;
	v9 =	vmul.f32 v11, v9;
	v53 =	vadd.f32 v21, v17  }
0x110: {  	v15 =	vsub.f32 v19, v15;
	v54 =	vadd.f32 v20, v18  }
0x111: {  	v8 =	vadd.f32 v8, v13;
	v9 =	vsub.f32 v14, v9  }
0x112: {  	v11 =	vmul.f32 v53, v16;
	v12 =	vmul.f32 v15, v12  }
0x113: {  	v55 =	vsub.f32 $0.0e+00, v54;
	v8 =	vmul.f32 v8, v10;
	v1 =	vmul.f32 v9, v1  }
0x114: {  	[tilespmem:v7+s0+$0x0] =	vst.idx.add.f32.msk $0xffff, v54;
	v56 =	vadd.f32 v12, v11  }
0x115: {  	[tilespmem:v4+s0+$0x0] =	vst.idx.add.f32.msk $0xffff, v55;
	v1 =	vadd.f32 v1, v8  }
0x116: {  	[tilespmem:v5+s0+$0x0] =	vst.idx.add.f32.msk $0xffff, v56;
	v57 =	vsub.f32 $0.0e+00, v56  }
0x117: {  	[tilespmem:v6+s0+$0x0] =	vst.idx.add.f32.msk $0xffff, v1;
	v1 =	vsub.f32 $0.0e+00, v1  }
0x118: {  	[tilespmem:v2+s0+$0x0] =	vst.idx.add.f32.msk $0xffff, v57  }
0x119: {  	[tilespmem:v3+s0+$0x0] =	vst.idx.add.f32.msk $0xffff, v1  }
0x11a: {  	v1 =	vld [tilespmem:$0x76C0]  }
0x11b: {  	v2 =	vld [tilespmem:$0x7EC0];
	_ =	sdelay $0x6  }
0x11c: {  	v3 =	vld.idx.msk [tilespmem:v1+s4+$0x0], $0xffff  }
0x11d: {  	v4 =	vld.idx.msk [tilespmem:v2+s4+$0x0], $0xffff  }
0x11e: {  	v5 =	vld.idx.msk [tilespmem:v1+s21+$0x0], $0xffff  }
0x11f: {  	v6 =	vld.idx.msk [tilespmem:v2+s21+$0x0], $0xffff;
	_ =	sdelay $0x3  }
0x120: {  	v58 =	vld [tilespmem:$0x86C0]  }
0x121: {  	v59 =	vld [tilespmem:$0x8EC0];
	v60 =	vmul.f32 v4, v3;
	v61 =	vmul.f32 v6, v5  }
0x122: {  	v4 =	vmul.f32 v5, v4;
	v3 =	vmul.f32 v6, v3;
	_ =	sdelay $0x1  }
0x123: {  	v62 =	vadd.f32 v61, v60;
	v3 =	vsub.f32 v4, v3;
	_ =	sdelay $0x1  }
0x124: {  	v63 =	vmul.f32 v62, v58;
	v3 =	vmul.f32 v3, v59;
	_ =	sdelay $0x1  }
.Ltmp5:
0x125: {  	v3 =	vadd.f32 v3, v63;
	(pc) =	sbr.rel @p0 .LBB2_10-.Ltmp5, $4  }
0x126: {  	_ = 	snop  }
0x127: {  	v4 =	vsub.f32 $0.0e+00, v3  }
0x128: {  	[tilespmem:v1+s0+$0x0] =	vst.idx.add.f32.msk $0xffff, v3  }
0x129: {  	[tilespmem:v2+s0+$0x0] =	vst.idx.add.f32.msk $0xffff, v4  }
0x12a: {  	s7 =	smul.u32 $0xFA0, s26;
	_ =	sdelay $0x1  }
0x12b: {  	s7 =	sadd.s32 s7, s18  }
0x12c: {  	s8 =	sshrl.u32 s7, $0x3  }
0x12d: {  	s8 =	sadd.s32 s5, s8  }
0x12e: {  	[tilespmem:s29], [sflag:$0x2] =	stream.linear.gather [hbm4b:s8+s4], $0x7D0, $0x38;
	[tilespmem:$0xB680] =	vst v63  }
0x12f: {  	s7 =	sadd.s32 s6, s7;
	s8 =	sadd.s32 $0x9C40, s8  }
0x130: {  	[tilespmem:s30], [sflag:$0x2] =	stream.linear.gather [hbm4b:s8+s4], $0x7D0, $0x38;
	[tilespmem:$0xB680] =	vst v63  }
.Ltmp6:
0x131: {  	s7 =	sshrl.u32 s7, $0x3;
	(pc) =	sbr.rel .LBB2_4-.Ltmp6, $4  }
0x132: {  	s28 =	sadd.s32 s2, s7  }
0x133: {  	[tilespmem:s31], [sflag:$0x2] =	stream.linear.gather [hbm4b:s28+s4], $0x7D0, $0x38;
	[tilespmem:$0xB680] =	vst v63  }
0x134: {  	s26 =	sadd.s32 $0x1, s26;
	s7 =	sadd.s32 s3, s7  }
0x135: {  	[tilespmem:s1], [sflag:$0x2] =	stream.linear.gather [hbm4b:s7+s4], $0x7D0, $0x38;
	[tilespmem:$0xB680] =	vst v63  }
.LBB2_11:
0x136: {  	_ =	sfence.sel $0x180000  }
0x137: {  	[bflag:$0x0] =	sbarrier.arrive $0xFFFF  }
0x138: {  	_ =	strace $0x90000047  }
0x139: {  	s0 =	stileid.u32;
	[bflag:$0x2] =	sbarrier.arrive $0xFFFF  }
0x13a: {  	p0 =	sne.s32 s0, $0x0;
	s0 =	rddreg [dreg:$0x3]  }
0x13b: {  	s0 =	sadd.s32 @!p0 $0x100000, s0  }
0x13c: {  	[sflag:s0] =	ssyncadd.tile.s32 @!p0 $0x1;
	_ =	shalt  }
.Lfunc_end2:
_tile_overlayer_lowered:
.L_overlay_start_2:
0x13d: {  	(tag) =	ssettag $0x2  }
0x13e: {  	s0 =	rddreg [dreg:$0x0];
	s2 =	stileid.u32  }
0x13f: {  	s1 =	rddreg [dreg:$0x1];
	p0 =	sne.s32 s2, $0x0  }
0x140: {  	s3 =	rddreg [dreg:$0x2];
	[bflag:$0x3] =	sbarrier.arrive $0xFFFF;
	s2 =	simm.s32 @!p0 $0x1C03  }
0x141: {  	[timem:s3], [sflag:s2] =	dma.local @!p0 [hbm:s0], s1  }
0x142: {  	s0 =	simm.s32 @!p0 $0x3  }
0x143: {  	_ =	swait.ge @!p0 [sflag:s0], s1  }
0x144: {  	s1 =	ssub.s32 @!p0 $0x0, s1;
	[sflag:s0] =	ssyncset.done @!p0 $0x0  }
0x145: {  	[sflag:s0] =	ssyncadd.s32 @!p0 s1  }
0x146: {  	[bflag:$0x3] =	sbarrier.arrive $0xFFFF  }
0x147: {  	_ =	shalt  }

</sc_bundles>
